<compile_context>
chip_gen: v7x
topology: tpu7x:2x2x1
jax: 0.10.2.dev20260603
libtpu: 0.0.44.dev20260713+nightly
codegen_flags: <defaults>
</compile_context>

<pallas_src>
import numpy as np
import jax
import jax.numpy as jnp
from jax import lax
from jax.experimental import pallas as pl
from jax.experimental.pallas import tpu as pltpu, tpu_sc as plsc

_RATIO = 0.7
_DIM_OUT = 128
_N_CENTER = 64
_KS = 16
_RADIUS = 0.4
_SIGMA = 0.1
_KA = 12
_M = 2048
_B = 2
_BC = _B * _N_CENTER
_NJ = _KA * _KS
_NCORES = 2
_NSUB = 16
_NW = _NCORES * _NSUB
_CPW = _BC // _NW
_NCHUNK = _M // 16


def _fib_sphere(n, r):
    i = np.arange(n, dtype=np.float64)
    phi = np.pi * (3.0 - np.sqrt(5.0))
    y = 1.0 - 2.0 * (i + 0.5) / n
    rad = np.sqrt(np.maximum(0.0, 1.0 - y * y))
    th = phi * i
    return (np.stack([np.cos(th) * rad, y, np.sin(th) * rad], axis=-1) * r).astype(np.float32)


def _mk_anchors(n):
    rng = np.random.RandomState(0)
    out = []
    for _ in range(n):
        a = rng.randn(3, 3)
        q, rmat = np.linalg.qr(a)
        q = q * np.sign(np.diag(rmat))[None, :]
        if np.linalg.det(q) < 0:
            q[:, 0] = -q[:, 0]
        out.append(q)
    return np.stack(out).astype(np.float32)


_KPTS = _fib_sphere(_KS, _RATIO * _RADIUS)
_ANCHORS_NP = _mk_anchors(_KA)
_KERNELS_NP = np.transpose(_ANCHORS_NP @ _KPTS.T, (2, 0, 1))
_KCOL_NP = np.transpose(_KERNELS_NP, (1, 0, 2)).reshape(_NJ, 3)
_K2_NP = np.sum(_KCOL_NP * _KCOL_NP, axis=-1)



def _sc_body(fx_hbm, fy_hbm, fz_hbm, cx_hbm, cy_hbm, cz_hbm,
             kx_hbm, ky_hbm, kz_hbm, s_hbm,
             fxv, fyv, fzv, cxv, cyv, czv, kxv, kyv, kzv,
             xcb, ycb, zcb, wb, accv):
    inv_s = 1.0 / _SIGMA
    inv_2s = 1.0 / (2.0 * _SIGMA)
    r2 = _RADIUS * _RADIUS
    wid = lax.axis_index("s") * _NCORES + lax.axis_index("c")

    pltpu.sync_copy(fx_hbm, fxv)
    pltpu.sync_copy(fy_hbm, fyv)
    pltpu.sync_copy(fz_hbm, fzv)
    pltpu.sync_copy(cx_hbm, cxv.at[pl.ds(0, _BC)])
    pltpu.sync_copy(cy_hbm, cyv.at[pl.ds(0, _BC)])
    pltpu.sync_copy(cz_hbm, czv.at[pl.ds(0, _BC)])
    pltpu.sync_copy(kx_hbm, kxv)
    pltpu.sync_copy(ky_hbm, kyv)
    pltpu.sync_copy(kz_hbm, kzv)

    lanes = lax.iota(jnp.int32, 16)

    def center_body(ci, _):
        c = wid * _CPW + ci
        cx = cxv[pl.ds(c, 16)][0]
        cy = cyv[pl.ds(c, 16)][0]
        cz = czv[pl.ds(c, 16)][0]

        def chunk_body(v, cursor):
            base = v * 16
            px = fxv[pl.ds(base, 16)]
            py = fyv[pl.ds(base, 16)]
            pz = fzv[pl.ds(base, 16)]
            dx = px - cx
            dy = py - cy
            dz = pz - cz
            d2 = dx * dx + dy * dy + dz * dz
            mask = d2 < r2
            w = jnp.exp(d2 * (-inv_2s))
            pos = cursor + plsc.cumsum(
                jnp.where(mask, jnp.int32(1), jnp.int32(0))) - 1
            plsc.store_scatter(xcb, [pos], px, mask=mask)
            plsc.store_scatter(ycb, [pos], py, mask=mask)
            plsc.store_scatter(zcb, [pos], pz, mask=mask)
            plsc.store_scatter(wb, [pos], w, mask=mask)
            return cursor + plsc.all_reduce_population_count(mask)

        cursor = lax.fori_loop(0, _NCHUNK, chunk_body,
                               jnp.zeros((16,), jnp.int32))
        nn = lax.reduce_max(cursor, (0,))

        kregs = tuple(kv[pl.ds(jv * 16, 16)]
                      for jv in range(_NJ // 16)
                      for kv in (kxv, kyv, kzv))

        def entry_body(e, acc):
            ev = jnp.full((16,), e, jnp.int32)
            x = plsc.load_gather(xcb, [ev])
            y = plsc.load_gather(ycb, [ev])
            z = plsc.load_gather(zcb, [ev])
            w = plsc.load_gather(wb, [ev])
            out = []
            for jv in range(_NJ // 16):
                fk = (kregs[3 * jv] * x + kregs[3 * jv + 1] * y
                      + kregs[3 * jv + 2] * z)
                out.append(acc[jv] + w * jnp.exp(fk))
            return tuple(out)

        acc0 = tuple(jnp.zeros((16,), jnp.float32) for _ in range(_NJ // 16))
        acc = lax.fori_loop(0, nn, entry_body, acc0)
        for jv in range(_NJ // 16):
            accv[pl.ds(jv * 16, 16)] = acc[jv]
        pltpu.sync_copy(accv, s_hbm.at[pl.ds(c * _NJ, _NJ)])
        return 0

    lax.fori_loop(0, _CPW, center_body, 0)


def _sc_accumulate(fx, fy, fz, cx, cy, cz, kx, ky, kz):
    mesh = plsc.VectorSubcoreMesh(core_axis_name="c", subcore_axis_name="s",
                                  num_cores=_NCORES, num_subcores=_NSUB)
    f = pl.kernel(
        _sc_body,
        out_type=jax.ShapeDtypeStruct((_BC * _NJ,), jnp.float32),
        mesh=mesh,
        compiler_params=pltpu.CompilerParams(needs_layout_passes=False),
        scratch_types=[
            pltpu.VMEM((_M,), jnp.float32),
            pltpu.VMEM((_M,), jnp.float32),
            pltpu.VMEM((_M,), jnp.float32),
            pltpu.VMEM((_BC + 16,), jnp.float32),
            pltpu.VMEM((_BC + 16,), jnp.float32),
            pltpu.VMEM((_BC + 16,), jnp.float32),
            pltpu.VMEM((_NJ,), jnp.float32),
            pltpu.VMEM((_NJ,), jnp.float32),
            pltpu.VMEM((_NJ,), jnp.float32),
            pltpu.VMEM((_M + 16,), jnp.float32),
            pltpu.VMEM((_M + 16,), jnp.float32),
            pltpu.VMEM((_M + 16,), jnp.float32),
            pltpu.VMEM((_M + 16,), jnp.float32),
            pltpu.VMEM((_NJ,), jnp.float32),
        ],
    )
    return f(fx, fy, fz, cx, cy, cz, kx, ky, kz)



def _tc_body(frag_ref, clouds_ref, w_ref, s_ref, kcolT_ref, k2_ref, out_ref):
    inv_s = 1.0 / _SIGMA
    inv_2s = 1.0 / (2.0 * _SIGMA)
    frag = frag_ref[:]
    kcolT = kcolT_ref[:]
    C = jnp.concatenate([jnp.transpose(clouds_ref[0]),
                         jnp.transpose(clouds_ref[1])], axis=0)
    CT = jnp.transpose(C)

    d0 = frag[:, 0:1] - CT[0:1, :]
    d1 = frag[:, 1:2] - CT[1:2, :]
    d2_ = frag[:, 2:3] - CT[2:3, :]
    d2c = d0 * d0 + d1 * d1 + d2_ * d2_
    mask = d2c < (_RADIUS * _RADIUS)
    nnT = jnp.sum(jnp.where(mask, 1.0, 0.0), axis=0, keepdims=True)
    nn = jnp.transpose(nnT)

    CK = (C[:, 0:1] * kcolT[0:1, :]
          + C[:, 1:2] * kcolT[1:2, :]
          + C[:, 2:3] * kcolT[2:3, :])
    g = jnp.exp(k2_ref[:] * (-inv_2s) - CK * inv_s)
    Ss = s_ref[:] * g / (nn + 1.0)

    wT = jnp.transpose(w_ref[:])
    for a in range(_KA):
        out_ref[:, a * _DIM_OUT:(a + 1) * _DIM_OUT] = jax.lax.dot_general(
            Ss[:, a * _KS:(a + 1) * _KS], wT, (((1,), (0,)), ((), ())),
            preferred_element_type=jnp.float32,
            precision=jax.lax.Precision.HIGHEST)


def kernel(frag, clouds, W):
    kcolT = jnp.asarray(_KCOL_NP.T)
    k2 = jnp.asarray(_K2_NP)[None, :]
    kx = jnp.asarray(_KCOL_NP[:, 0] / _SIGMA)
    ky = jnp.asarray(_KCOL_NP[:, 1] / _SIGMA)
    kz = jnp.asarray(_KCOL_NP[:, 2] / _SIGMA)
    C = jnp.transpose(clouds, (0, 2, 1)).reshape(_BC, 3)

    S = _sc_accumulate(frag[:, 0], frag[:, 1], frag[:, 2],
                       C[:, 0], C[:, 1], C[:, 2],
                       kx, ky, kz).reshape(_BC, _NJ)

    F = pl.pallas_call(
        _tc_body,
        out_shape=jax.ShapeDtypeStruct((_BC, _KA * _DIM_OUT), jnp.float32),
    )(frag, clouds, W, S, kcolT, k2)

    feats = F.reshape(_B, _N_CENTER, _KA, _DIM_OUT).transpose(0, 3, 1, 2)
    return clouds, feats, jnp.asarray(_ANCHORS_NP)

# --- scband reference (transcript-rebuilt; emitter-appended) ---
"""Pipeline reference for scband-kernel-propagation-24206435681031 (READ-ONLY COPY).

The authoritative reference and input builder live on the scoring server;
editing this copy changes nothing except your own understanding.
"""

import jax, jax.numpy as jnp
import numpy as np

KERNEL_CONDENSE_RATIO = 0.7
DIM_IN = 1
DIM_OUT = 128
N_CENTER = 64
KERNEL_SIZE = 16
RADIUS = 0.4
SIGMA = 0.1
KANCHOR = 12
M_FRAG = 2048
BATCH = 2


def _fibonacci_sphere(n, r):
    i = np.arange(n, dtype=np.float64)
    phi = np.pi * (3.0 - np.sqrt(5.0))
    y = 1.0 - 2.0 * (i + 0.5) / n
    rad = np.sqrt(np.maximum(0.0, 1.0 - y * y))
    th = phi * i
    return (np.stack([np.cos(th) * rad, y, np.sin(th) * rad], axis=-1) * r).astype(np.float32)


def _make_anchors(n):
    rng = np.random.RandomState(0)
    out = []
    for _ in range(n):
        a = rng.randn(3, 3)
        q, rmat = np.linalg.qr(a)
        q = q * np.sign(np.diag(rmat))[None, :]
        if np.linalg.det(q) < 0:
            q[:, 0] = -q[:, 0]
        out.append(q)
    return np.stack(out).astype(np.float32)


def make_buffers():
    kpts = _fibonacci_sphere(KERNEL_SIZE, KERNEL_CONDENSE_RATIO * RADIUS)  # (ks, 3)
    anchors = _make_anchors(KANCHOR)                                       # (na, 3, 3)
    kernels = np.transpose(anchors @ kpts.T, (2, 0, 1))                    # (ks, na, 3)
    return jnp.asarray(anchors), jnp.asarray(kernels)


def setup_inputs(seed: int = 0):
    key = jax.random.key(seed)
    k1, k2, k3 = jax.random.split(key, 3)
    frag = jax.random.uniform(k1, (M_FRAG, 3), dtype=jnp.float32)
    clouds = jax.random.uniform(k2, (BATCH, 3, N_CENTER), dtype=jnp.float32)
    fan = DIM_IN * KERNEL_SIZE
    W = jax.random.normal(k3, (DIM_OUT, fan), dtype=jnp.float32) * (2.0 / (fan + DIM_OUT)) ** 0.5
    return {"frag": frag, "clouds": clouds, "W": W}


def _initial_anchor_query(frag, centers, kernels, radius, sigma):
    # frag (m,3), centers (b,3,nc), kernels (ks,na,3)
    k2sum = jnp.sum(kernels * kernels, axis=-1)  # (ks, na)

    def per_center(c):  # c: (b, 3)
        diff = frag[None, :, :] - c[:, None, :]                 # (b, m, 3)
        d2c = jnp.sum(diff * diff, axis=-1)                     # (b, m)
        mask = (d2c < radius * radius).astype(frag.dtype)       # (b, m)
        nn = jnp.sum(mask, axis=-1)                             # (b,)
        cross = jnp.einsum('bmd,kad->bkam', diff, kernels)      # (b, ks, na, m)
        d2 = d2c[:, None, None, :] + k2sum[None, :, :, None] - 2.0 * cross
        w = jnp.exp(-d2 / (2.0 * sigma)) * mask[:, None, None, :]
        return jnp.sum(w, axis=-1), nn                          # (b, ks, na), (b,)

    wts, nnctn = jax.lax.map(per_center, jnp.transpose(centers, (2, 0, 1)))
    wts = jnp.transpose(wts, (1, 2, 0, 3))                      # (b, ks, nc, na)
    nnctn = jnp.transpose(nnctn, (1, 0))[:, None, :, None]      # (b, 1, nc, 1)
    return wts, nnctn


def reference(frag, clouds, W):
    anchors, kernels = make_buffers()
    # clouds.shape[2] == n_center so centers = clouds (no furthest-point sampling)
    centers = clouds
    wts, nnctn = _initial_anchor_query(frag, centers, kernels, RADIUS, SIGMA)
    wts = wts / (nnctn + 1.0)
    b, ks, nc, na = wts.shape
    # BasicSO3Conv on wts.unsqueeze(1): (b, dim_in=1, ks, nc, na)
    x = wts[:, None].reshape(b, DIM_IN * ks, nc * na)
    feats = jnp.einsum('oi,bip->bop', W, x).reshape(b, DIM_OUT, nc, na)
    return centers, feats, anchors

if __name__ == "__main__":
    import jax
    _d = setup_inputs()
    print(jax.jit(kernel)(*tuple(_d.values())))

</pallas_src>

<mosaic_0001>
#map = affine_map<(d0, d1) -> (0)>
module attributes {stable_mosaic.version = 14 : i64} {
  func.func @_sc_body(%arg0: i32, %arg1: i32, %arg2: memref<2048xf32, #tpu.memory_space<hbm>>, %arg3: memref<2048xf32, #tpu.memory_space<hbm>>, %arg4: memref<2048xf32, #tpu.memory_space<hbm>>, %arg5: memref<128xf32, #tpu.memory_space<hbm>>, %arg6: memref<128xf32, #tpu.memory_space<hbm>>, %arg7: memref<128xf32, #tpu.memory_space<hbm>>, %arg8: memref<192xf32, #tpu.memory_space<hbm>>, %arg9: memref<192xf32, #tpu.memory_space<hbm>>, %arg10: memref<192xf32, #tpu.memory_space<hbm>>, %arg11: memref<24576xf32, #tpu.memory_space<hbm>>, %arg12: memref<2048xf32, #tpu.memory_space<vmem>>, %arg13: memref<2048xf32, #tpu.memory_space<vmem>>, %arg14: memref<2048xf32, #tpu.memory_space<vmem>>, %arg15: memref<144xf32, #tpu.memory_space<vmem>>, %arg16: memref<144xf32, #tpu.memory_space<vmem>>, %arg17: memref<144xf32, #tpu.memory_space<vmem>>, %arg18: memref<192xf32, #tpu.memory_space<vmem>>, %arg19: memref<192xf32, #tpu.memory_space<vmem>>, %arg20: memref<192xf32, #tpu.memory_space<vmem>>, %arg21: memref<2064xf32, #tpu.memory_space<vmem>>, %arg22: memref<2064xf32, #tpu.memory_space<vmem>>, %arg23: memref<2064xf32, #tpu.memory_space<vmem>>, %arg24: memref<2064xf32, #tpu.memory_space<vmem>>, %arg25: memref<192xf32, #tpu.memory_space<vmem>>) attributes {dimension_semantics = [#tpu.dimension_semantics<core_parallel>, #tpu.dimension_semantics<subcore_parallel>], iteration_bounds = array<i64: 2, 16>, scalar_prefetch = 0 : i64, scratch_operands = 14 : i64, tpu.core_type = #tpu.core_type<sc_vector_subcore>, window_params = [{transform_indices = #map}, {transform_indices = #map}, {transform_indices = #map}, {transform_indices = #map}, {transform_indices = #map}, {transform_indices = #map}, {transform_indices = #map}, {transform_indices = #map}, {transform_indices = #map}, {transform_indices = #map}]} {
    %mul3A = arith.constant 2 : i32
    %mul3A_0 = arith.muli %arg1, %mul3A : i32
    %add3A = arith.addi %mul3A_0, %arg0 : i32
    "tpu.region"() ({
      %run_scoped3A = tpu.sem_alloc : memref<!tpu.dma_semaphore, #tpu.memory_space<semaphore_mem>>
      tpu.enqueue_dma source(%arg2 : memref<2048xf32, #tpu.memory_space<hbm>>) target(%arg12 : memref<2048xf32, #tpu.memory_space<vmem>>) target_semaphore(%run_scoped3A : memref<!tpu.dma_semaphore, #tpu.memory_space<semaphore_mem>>)
      tpu.wait_dma2 semaphore(%run_scoped3A : memref<!tpu.dma_semaphore, #tpu.memory_space<semaphore_mem>>) src(%arg2 : memref<2048xf32, #tpu.memory_space<hbm>>) dst(%arg12 : memref<2048xf32, #tpu.memory_space<vmem>>)
      tpu.yield
    }) : () -> ()
    "tpu.region"() ({
      %run_scoped3A = tpu.sem_alloc : memref<!tpu.dma_semaphore, #tpu.memory_space<semaphore_mem>>
      tpu.enqueue_dma source(%arg3 : memref<2048xf32, #tpu.memory_space<hbm>>) target(%arg13 : memref<2048xf32, #tpu.memory_space<vmem>>) target_semaphore(%run_scoped3A : memref<!tpu.dma_semaphore, #tpu.memory_space<semaphore_mem>>)
      tpu.wait_dma2 semaphore(%run_scoped3A : memref<!tpu.dma_semaphore, #tpu.memory_space<semaphore_mem>>) src(%arg3 : memref<2048xf32, #tpu.memory_space<hbm>>) dst(%arg13 : memref<2048xf32, #tpu.memory_space<vmem>>)
      tpu.yield
    }) : () -> ()
    "tpu.region"() ({
      %run_scoped3A = tpu.sem_alloc : memref<!tpu.dma_semaphore, #tpu.memory_space<semaphore_mem>>
      tpu.enqueue_dma source(%arg4 : memref<2048xf32, #tpu.memory_space<hbm>>) target(%arg14 : memref<2048xf32, #tpu.memory_space<vmem>>) target_semaphore(%run_scoped3A : memref<!tpu.dma_semaphore, #tpu.memory_space<semaphore_mem>>)
      tpu.wait_dma2 semaphore(%run_scoped3A : memref<!tpu.dma_semaphore, #tpu.memory_space<semaphore_mem>>) src(%arg4 : memref<2048xf32, #tpu.memory_space<hbm>>) dst(%arg14 : memref<2048xf32, #tpu.memory_space<vmem>>)
      tpu.yield
    }) : () -> ()
    "tpu.region"() ({
      %run_scoped3A = tpu.sem_alloc : memref<!tpu.dma_semaphore, #tpu.memory_space<semaphore_mem>>
      %dma_start3A = arith.constant 0 : i32
      %dma_start3A_7 = tpu.memref_slice %arg15[%dma_start3A] : memref<144xf32, #tpu.memory_space<vmem>> -> memref<128xf32, #tpu.memory_space<vmem>>
      %dma_start3A_8 = arith.constant 0 : i32
      %dma_start3A_9 = tpu.memref_slice %arg15[%dma_start3A_8] : memref<144xf32, #tpu.memory_space<vmem>> -> memref<128xf32, #tpu.memory_space<vmem>>
      tpu.enqueue_dma source(%arg5 : memref<128xf32, #tpu.memory_space<hbm>>) target(%dma_start3A_9 : memref<128xf32, #tpu.memory_space<vmem>>) target_semaphore(%run_scoped3A : memref<!tpu.dma_semaphore, #tpu.memory_space<semaphore_mem>>)
      %dma_wait3A = arith.constant 0 : i32
      %dma_wait3A_10 = tpu.memref_slice %arg15[%dma_wait3A] : memref<144xf32, #tpu.memory_space<vmem>> -> memref<128xf32, #tpu.memory_space<vmem>>
      %dma_wait3A_11 = arith.constant 0 : i32
      %dma_wait3A_12 = tpu.memref_slice %arg15[%dma_wait3A_11] : memref<144xf32, #tpu.memory_space<vmem>> -> memref<128xf32, #tpu.memory_space<vmem>>
      tpu.wait_dma2 semaphore(%run_scoped3A : memref<!tpu.dma_semaphore, #tpu.memory_space<semaphore_mem>>) src(%arg5 : memref<128xf32, #tpu.memory_space<hbm>>) dst(%dma_wait3A_12 : memref<128xf32, #tpu.memory_space<vmem>>)
      tpu.yield
    }) : () -> ()
    "tpu.region"() ({
      %run_scoped3A = tpu.sem_alloc : memref<!tpu.dma_semaphore, #tpu.memory_space<semaphore_mem>>
      %dma_start3A = arith.constant 0 : i32
      %dma_start3A_7 = tpu.memref_slice %arg16[%dma_start3A] : memref<144xf32, #tpu.memory_space<vmem>> -> memref<128xf32, #tpu.memory_space<vmem>>
      %dma_start3A_8 = arith.constant 0 : i32
      %dma_start3A_9 = tpu.memref_slice %arg16[%dma_start3A_8] : memref<144xf32, #tpu.memory_space<vmem>> -> memref<128xf32, #tpu.memory_space<vmem>>
      tpu.enqueue_dma source(%arg6 : memref<128xf32, #tpu.memory_space<hbm>>) target(%dma_start3A_9 : memref<128xf32, #tpu.memory_space<vmem>>) target_semaphore(%run_scoped3A : memref<!tpu.dma_semaphore, #tpu.memory_space<semaphore_mem>>)
      %dma_wait3A = arith.constant 0 : i32
      %dma_wait3A_10 = tpu.memref_slice %arg16[%dma_wait3A] : memref<144xf32, #tpu.memory_space<vmem>> -> memref<128xf32, #tpu.memory_space<vmem>>
      %dma_wait3A_11 = arith.constant 0 : i32
      %dma_wait3A_12 = tpu.memref_slice %arg16[%dma_wait3A_11] : memref<144xf32, #tpu.memory_space<vmem>> -> memref<128xf32, #tpu.memory_space<vmem>>
      tpu.wait_dma2 semaphore(%run_scoped3A : memref<!tpu.dma_semaphore, #tpu.memory_space<semaphore_mem>>) src(%arg6 : memref<128xf32, #tpu.memory_space<hbm>>) dst(%dma_wait3A_12 : memref<128xf32, #tpu.memory_space<vmem>>)
      tpu.yield
    }) : () -> ()
    "tpu.region"() ({
      %run_scoped3A = tpu.sem_alloc : memref<!tpu.dma_semaphore, #tpu.memory_space<semaphore_mem>>
      %dma_start3A = arith.constant 0 : i32
      %dma_start3A_7 = tpu.memref_slice %arg17[%dma_start3A] : memref<144xf32, #tpu.memory_space<vmem>> -> memref<128xf32, #tpu.memory_space<vmem>>
      %dma_start3A_8 = arith.constant 0 : i32
      %dma_start3A_9 = tpu.memref_slice %arg17[%dma_start3A_8] : memref<144xf32, #tpu.memory_space<vmem>> -> memref<128xf32, #tpu.memory_space<vmem>>
      tpu.enqueue_dma source(%arg7 : memref<128xf32, #tpu.memory_space<hbm>>) target(%dma_start3A_9 : memref<128xf32, #tpu.memory_space<vmem>>) target_semaphore(%run_scoped3A : memref<!tpu.dma_semaphore, #tpu.memory_space<semaphore_mem>>)
      %dma_wait3A = arith.constant 0 : i32
      %dma_wait3A_10 = tpu.memref_slice %arg17[%dma_wait3A] : memref<144xf32, #tpu.memory_space<vmem>> -> memref<128xf32, #tpu.memory_space<vmem>>
      %dma_wait3A_11 = arith.constant 0 : i32
      %dma_wait3A_12 = tpu.memref_slice %arg17[%dma_wait3A_11] : memref<144xf32, #tpu.memory_space<vmem>> -> memref<128xf32, #tpu.memory_space<vmem>>
      tpu.wait_dma2 semaphore(%run_scoped3A : memref<!tpu.dma_semaphore, #tpu.memory_space<semaphore_mem>>) src(%arg7 : memref<128xf32, #tpu.memory_space<hbm>>) dst(%dma_wait3A_12 : memref<128xf32, #tpu.memory_space<vmem>>)
      tpu.yield
    }) : () -> ()
    "tpu.region"() ({
      %run_scoped3A = tpu.sem_alloc : memref<!tpu.dma_semaphore, #tpu.memory_space<semaphore_mem>>
      tpu.enqueue_dma source(%arg8 : memref<192xf32, #tpu.memory_space<hbm>>) target(%arg18 : memref<192xf32, #tpu.memory_space<vmem>>) target_semaphore(%run_scoped3A : memref<!tpu.dma_semaphore, #tpu.memory_space<semaphore_mem>>)
      tpu.wait_dma2 semaphore(%run_scoped3A : memref<!tpu.dma_semaphore, #tpu.memory_space<semaphore_mem>>) src(%arg8 : memref<192xf32, #tpu.memory_space<hbm>>) dst(%arg18 : memref<192xf32, #tpu.memory_space<vmem>>)
      tpu.yield
    }) : () -> ()
    "tpu.region"() ({
      %run_scoped3A = tpu.sem_alloc : memref<!tpu.dma_semaphore, #tpu.memory_space<semaphore_mem>>
      tpu.enqueue_dma source(%arg9 : memref<192xf32, #tpu.memory_space<hbm>>) target(%arg19 : memref<192xf32, #tpu.memory_space<vmem>>) target_semaphore(%run_scoped3A : memref<!tpu.dma_semaphore, #tpu.memory_space<semaphore_mem>>)
      tpu.wait_dma2 semaphore(%run_scoped3A : memref<!tpu.dma_semaphore, #tpu.memory_space<semaphore_mem>>) src(%arg9 : memref<192xf32, #tpu.memory_space<hbm>>) dst(%arg19 : memref<192xf32, #tpu.memory_space<vmem>>)
      tpu.yield
    }) : () -> ()
    "tpu.region"() ({
      %run_scoped3A = tpu.sem_alloc : memref<!tpu.dma_semaphore, #tpu.memory_space<semaphore_mem>>
      tpu.enqueue_dma source(%arg10 : memref<192xf32, #tpu.memory_space<hbm>>) target(%arg20 : memref<192xf32, #tpu.memory_space<vmem>>) target_semaphore(%run_scoped3A : memref<!tpu.dma_semaphore, #tpu.memory_space<semaphore_mem>>)
      tpu.wait_dma2 semaphore(%run_scoped3A : memref<!tpu.dma_semaphore, #tpu.memory_space<semaphore_mem>>) src(%arg10 : memref<192xf32, #tpu.memory_space<hbm>>) dst(%arg20 : memref<192xf32, #tpu.memory_space<vmem>>)
      tpu.yield
    }) : () -> ()
    %iota3A = tpu.iota {dimensions = array<i32: 0>} : vector<16xi32>
    %scan3A = arith.constant 0 : i32
    %scan3A_1 = arith.constant 0 : i32
    %scan3A_2 = arith.constant 4 : i32
    %scan3A_3 = arith.addi %scan3A_1, %scan3A_2 : i32
    %scan3A_4 = arith.constant 1 : i32
    %scan3A_5 = scf.for %scan3A_7 = %scan3A_1 to %scan3A_3 step %scan3A_4 iter_args(%scan3A_8 = %scan3A) -> (i32)  : i32 {
      %mul3A_9 = arith.constant 4 : i32
      %mul3A_10 = arith.muli %add3A, %mul3A_9 : i32
      %add3A_11 = arith.addi %mul3A_10, %scan3A_7 : i32
      %get3A = arith.index_cast %add3A_11 : i32 to index
      %get3A_12 = tpu.vector_load %arg15[%get3A] {strides = array<i32>} : memref<144xf32, #tpu.memory_space<vmem>>, vector<16xf32>,
      %slice3A = vector.extract_strided_slice %get3A_12 {offsets = [0], sizes = [1], strides = [1]} : vector<16xf32> to vector<1xf32>
      %squeeze3A = vector.extract %slice3A[0] : f32 from vector<1xf32>
      %get3A_13 = arith.index_cast %add3A_11 : i32 to index
      %get3A_14 = tpu.vector_load %arg16[%get3A_13] {strides = array<i32>} : memref<144xf32, #tpu.memory_space<vmem>>, vector<16xf32>,
      %slice3A_15 = vector.extract_strided_slice %get3A_14 {offsets = [0], sizes = [1], strides = [1]} : vector<16xf32> to vector<1xf32>
      %squeeze3A_16 = vector.extract %slice3A_15[0] : f32 from vector<1xf32>
      %get3A_17 = arith.index_cast %add3A_11 : i32 to index
      %get3A_18 = tpu.vector_load %arg17[%get3A_17] {strides = array<i32>} : memref<144xf32, #tpu.memory_space<vmem>>, vector<16xf32>,
      %slice3A_19 = vector.extract_strided_slice %get3A_18 {offsets = [0], sizes = [1], strides = [1]} : vector<16xf32> to vector<1xf32>
      %squeeze3A_20 = vector.extract %slice3A_19[0] : f32 from vector<1xf32>
      %broadcast_in_dim3A = arith.constant 0 : i32
      %broadcast_in_dim3A_21 = vector.broadcast %broadcast_in_dim3A : i32 to vector<16xi32>
      %scan3A_22 = arith.constant 0 : i32
      %scan3A_23 = arith.constant 128 : i32
      %scan3A_24 = arith.addi %scan3A_22, %scan3A_23 : i32
      %scan3A_25 = arith.constant 1 : i32
      %scan3A_26 = scf.for %scan3A_167 = %scan3A_22 to %scan3A_24 step %scan3A_25 iter_args(%scan3A_168 = %broadcast_in_dim3A_21) -> (vector<16xi32>)  : i32 {
        %mul3A_169 = arith.constant 16 : i32
        %mul3A_170 = arith.muli %scan3A_167, %mul3A_169 : i32
        %get3A_171 = arith.index_cast %mul3A_170 : i32 to index
        %get3A_172 = tpu.vector_load %arg12[%get3A_171] {strides = array<i32>} : memref<2048xf32, #tpu.memory_space<vmem>>, vector<16xf32>,
        %get3A_173 = arith.index_cast %mul3A_170 : i32 to index
        %get3A_174 = tpu.vector_load %arg13[%get3A_173] {strides = array<i32>} : memref<2048xf32, #tpu.memory_space<vmem>>, vector<16xf32>,
        %get3A_175 = arith.index_cast %mul3A_170 : i32 to index
        %get3A_176 = tpu.vector_load %arg14[%get3A_175] {strides = array<i32>} : memref<2048xf32, #tpu.memory_space<vmem>>, vector<16xf32>,
        %sub3A = vector.broadcast %squeeze3A : f32 to vector<16xf32>
        %sub3A_177 = arith.subf %get3A_172, %sub3A : vector<16xf32>
        %sub3A_178 = vector.broadcast %squeeze3A_16 : f32 to vector<16xf32>
        %sub3A_179 = arith.subf %get3A_174, %sub3A_178 : vector<16xf32>
        %sub3A_180 = vector.broadcast %squeeze3A_20 : f32 to vector<16xf32>
        %sub3A_181 = arith.subf %get3A_176, %sub3A_180 : vector<16xf32>
        %mul3A_182 = arith.mulf %sub3A_177, %sub3A_177 : vector<16xf32>
        %mul3A_183 = arith.mulf %sub3A_179, %sub3A_179 : vector<16xf32>
        %add3A_184 = arith.addf %mul3A_182, %mul3A_183 : vector<16xf32>
        %mul3A_185 = arith.mulf %sub3A_181, %sub3A_181 : vector<16xf32>
        %add3A_186 = arith.addf %add3A_184, %mul3A_185 : vector<16xf32>
        %lt3A = arith.constant 1.600000e-01 : f32
        %lt3A_187 = vector.broadcast %lt3A : f32 to vector<16xf32>
        %lt3A_188 = arith.cmpf olt, %add3A_186, %lt3A_187 : vector<16xf32>
        %mul3A_189 = arith.constant -5.000000e+00 : f32
        %mul3A_190 = vector.broadcast %mul3A_189 : f32 to vector<16xf32>
        %mul3A_191 = arith.mulf %add3A_186, %mul3A_190 : vector<16xf32>
        %exp3A = math.exp %mul3A_191 : vector<16xf32>
        %jit3A = arith.constant 1 : i32
        %jit3A_192 = arith.constant 0 : i32
        %broadcast_in_dim3A_193 = vector.broadcast %jit3A : i32 to vector<16xi32>
        %broadcast_in_dim3A_194 = vector.broadcast %jit3A_192 : i32 to vector<16xi32>
        %select_n3A = arith.select %lt3A_188, %broadcast_in_dim3A_193, %broadcast_in_dim3A_194 : vector<16xi1>, vector<16xi32>
        %broadcast_in_dim3A_195 = arith.constant true
        %broadcast_in_dim3A_196 = vector.broadcast %broadcast_in_dim3A_195 : i1 to vector<16xi1>
        %masked_cumsum3A = tpu.scan <sum>, %select_n3A masked %broadcast_in_dim3A_196 : vector<16xi32>, vector<16xi1> -> vector<16xi32>
        %add3A_197 = arith.addi %scan3A_168, %masked_cumsum3A : vector<16xi32>
        %sub3A_198 = arith.constant 1 : i32
        %sub3A_199 = vector.broadcast %sub3A_198 : i32 to vector<16xi32>
        %sub3A_200 = arith.subi %add3A_197, %sub3A_199 : vector<16xi32>
        tpu.vector_store_idx %arg21[%sub3A_200], %get3A_172 masked %lt3A_188 : memref<2064xf32, #tpu.memory_space<vmem>>[vector<16xi32>], vector<16xf32>, vector<16xi1>
        tpu.vector_store_idx %arg22[%sub3A_200], %get3A_174 masked %lt3A_188 : memref<2064xf32, #tpu.memory_space<vmem>>[vector<16xi32>], vector<16xf32>, vector<16xi1>
        tpu.vector_store_idx %arg23[%sub3A_200], %get3A_176 masked %lt3A_188 : memref<2064xf32, #tpu.memory_space<vmem>>[vector<16xi32>], vector<16xf32>, vector<16xi1>
        tpu.vector_store_idx %arg24[%sub3A_200], %exp3A masked %lt3A_188 : memref<2064xf32, #tpu.memory_space<vmem>>[vector<16xi32>], vector<16xf32>, vector<16xi1>
        %all_reduce_population_count3A = tpu.all_reduce %lt3A_188 {dim = 0 : i64, kind = #tpu.reduction_kind<sum>} : vector<16xi1> -> vector<16xi32>
        %add3A_201 = arith.addi %scan3A_168, %all_reduce_population_count3A : vector<16xi32>
        scf.yield %add3A_201 : vector<16xi32>
      }
      %scan3A_27 = arith.constant 128 : i32
      %reduce_max3A = arith.constant true
      %reduce_max3A_28 = vector.broadcast %reduce_max3A : i1 to vector<16xi1>
      %reduce_max3A_29 = arith.constant -2147483648 : i32
      %reduce_max3A_30 = vector.broadcast %reduce_max3A_29 : i32 to vector<16xi32>
      %reduce_max3A_31 = arith.xori %scan3A_26, %reduce_max3A_30 : vector<16xi32>
      %reduce_max3A_32 = tpu.scan <max>, %reduce_max3A_31 masked %reduce_max3A_28 : vector<16xi32>, vector<16xi1> -> vector<16xi32>
      %reduce_max3A_33 = arith.xori %reduce_max3A_32, %reduce_max3A_30 : vector<16xi32>
      %reduce_max3A_34 = vector.extract %reduce_max3A_33[15] : i32 from vector<16xi32>
      %get3A_35 = arith.constant 0 : index
      %get3A_36 = tpu.vector_load %arg18[%get3A_35] {strides = array<i32>} : memref<192xf32, #tpu.memory_space<vmem>>, vector<16xf32>,
      %get3A_37 = arith.constant 0 : index
      %get3A_38 = tpu.vector_load %arg19[%get3A_37] {strides = array<i32>} : memref<192xf32, #tpu.memory_space<vmem>>, vector<16xf32>,
      %get3A_39 = arith.constant 0 : index
      %get3A_40 = tpu.vector_load %arg20[%get3A_39] {strides = array<i32>} : memref<192xf32, #tpu.memory_space<vmem>>, vector<16xf32>,
      %get3A_41 = arith.constant 16 : index
      %get3A_42 = tpu.vector_load %arg18[%get3A_41] {strides = array<i32>} : memref<192xf32, #tpu.memory_space<vmem>>, vector<16xf32>,
      %get3A_43 = arith.constant 16 : index
      %get3A_44 = tpu.vector_load %arg19[%get3A_43] {strides = array<i32>} : memref<192xf32, #tpu.memory_space<vmem>>, vector<16xf32>,
      %get3A_45 = arith.constant 16 : index
      %get3A_46 = tpu.vector_load %arg20[%get3A_45] {strides = array<i32>} : memref<192xf32, #tpu.memory_space<vmem>>, vector<16xf32>,
      %get3A_47 = arith.constant 32 : index
      %get3A_48 = tpu.vector_load %arg18[%get3A_47] {strides = array<i32>} : memref<192xf32, #tpu.memory_space<vmem>>, vector<16xf32>,
      %get3A_49 = arith.constant 32 : index
      %get3A_50 = tpu.vector_load %arg19[%get3A_49] {strides = array<i32>} : memref<192xf32, #tpu.memory_space<vmem>>, vector<16xf32>,
      %get3A_51 = arith.constant 32 : index
      %get3A_52 = tpu.vector_load %arg20[%get3A_51] {strides = array<i32>} : memref<192xf32, #tpu.memory_space<vmem>>, vector<16xf32>,
      %get3A_53 = arith.constant 48 : index
      %get3A_54 = tpu.vector_load %arg18[%get3A_53] {strides = array<i32>} : memref<192xf32, #tpu.memory_space<vmem>>, vector<16xf32>,
      %get3A_55 = arith.constant 48 : index
      %get3A_56 = tpu.vector_load %arg19[%get3A_55] {strides = array<i32>} : memref<192xf32, #tpu.memory_space<vmem>>, vector<16xf32>,
      %get3A_57 = arith.constant 48 : index
      %get3A_58 = tpu.vector_load %arg20[%get3A_57] {strides = array<i32>} : memref<192xf32, #tpu.memory_space<vmem>>, vector<16xf32>,
      %get3A_59 = arith.constant 64 : index
      %get3A_60 = tpu.vector_load %arg18[%get3A_59] {strides = array<i32>} : memref<192xf32, #tpu.memory_space<vmem>>, vector<16xf32>,
      %get3A_61 = arith.constant 64 : index
      %get3A_62 = tpu.vector_load %arg19[%get3A_61] {strides = array<i32>} : memref<192xf32, #tpu.memory_space<vmem>>, vector<16xf32>,
      %get3A_63 = arith.constant 64 : index
      %get3A_64 = tpu.vector_load %arg20[%get3A_63] {strides = array<i32>} : memref<192xf32, #tpu.memory_space<vmem>>, vector<16xf32>,
      %get3A_65 = arith.constant 80 : index
      %get3A_66 = tpu.vector_load %arg18[%get3A_65] {strides = array<i32>} : memref<192xf32, #tpu.memory_space<vmem>>, vector<16xf32>,
      %get3A_67 = arith.constant 80 : index
      %get3A_68 = tpu.vector_load %arg19[%get3A_67] {strides = array<i32>} : memref<192xf32, #tpu.memory_space<vmem>>, vector<16xf32>,
      %get3A_69 = arith.constant 80 : index
      %get3A_70 = tpu.vector_load %arg20[%get3A_69] {strides = array<i32>} : memref<192xf32, #tpu.memory_space<vmem>>, vector<16xf32>,
      %get3A_71 = arith.constant 96 : index
      %get3A_72 = tpu.vector_load %arg18[%get3A_71] {strides = array<i32>} : memref<192xf32, #tpu.memory_space<vmem>>, vector<16xf32>,
      %get3A_73 = arith.constant 96 : index
      %get3A_74 = tpu.vector_load %arg19[%get3A_73] {strides = array<i32>} : memref<192xf32, #tpu.memory_space<vmem>>, vector<16xf32>,
      %get3A_75 = arith.constant 96 : index
      %get3A_76 = tpu.vector_load %arg20[%get3A_75] {strides = array<i32>} : memref<192xf32, #tpu.memory_space<vmem>>, vector<16xf32>,
      %get3A_77 = arith.constant 112 : index
      %get3A_78 = tpu.vector_load %arg18[%get3A_77] {strides = array<i32>} : memref<192xf32, #tpu.memory_space<vmem>>, vector<16xf32>,
      %get3A_79 = arith.constant 112 : index
      %get3A_80 = tpu.vector_load %arg19[%get3A_79] {strides = array<i32>} : memref<192xf32, #tpu.memory_space<vmem>>, vector<16xf32>,
      %get3A_81 = arith.constant 112 : index
      %get3A_82 = tpu.vector_load %arg20[%get3A_81] {strides = array<i32>} : memref<192xf32, #tpu.memory_space<vmem>>, vector<16xf32>,
      %get3A_83 = arith.constant 128 : index
      %get3A_84 = tpu.vector_load %arg18[%get3A_83] {strides = array<i32>} : memref<192xf32, #tpu.memory_space<vmem>>, vector<16xf32>,
      %get3A_85 = arith.constant 128 : index
      %get3A_86 = tpu.vector_load %arg19[%get3A_85] {strides = array<i32>} : memref<192xf32, #tpu.memory_space<vmem>>, vector<16xf32>,
      %get3A_87 = arith.constant 128 : index
      %get3A_88 = tpu.vector_load %arg20[%get3A_87] {strides = array<i32>} : memref<192xf32, #tpu.memory_space<vmem>>, vector<16xf32>,
      %get3A_89 = arith.constant 144 : index
      %get3A_90 = tpu.vector_load %arg18[%get3A_89] {strides = array<i32>} : memref<192xf32, #tpu.memory_space<vmem>>, vector<16xf32>,
      %get3A_91 = arith.constant 144 : index
      %get3A_92 = tpu.vector_load %arg19[%get3A_91] {strides = array<i32>} : memref<192xf32, #tpu.memory_space<vmem>>, vector<16xf32>,
      %get3A_93 = arith.constant 144 : index
      %get3A_94 = tpu.vector_load %arg20[%get3A_93] {strides = array<i32>} : memref<192xf32, #tpu.memory_space<vmem>>, vector<16xf32>,
      %get3A_95 = arith.constant 160 : index
      %get3A_96 = tpu.vector_load %arg18[%get3A_95] {strides = array<i32>} : memref<192xf32, #tpu.memory_space<vmem>>, vector<16xf32>,
      %get3A_97 = arith.constant 160 : index
      %get3A_98 = tpu.vector_load %arg19[%get3A_97] {strides = array<i32>} : memref<192xf32, #tpu.memory_space<vmem>>, vector<16xf32>,
      %get3A_99 = arith.constant 160 : index
      %get3A_100 = tpu.vector_load %arg20[%get3A_99] {strides = array<i32>} : memref<192xf32, #tpu.memory_space<vmem>>, vector<16xf32>,
      %get3A_101 = arith.constant 176 : index
      %get3A_102 = tpu.vector_load %arg18[%get3A_101] {strides = array<i32>} : memref<192xf32, #tpu.memory_space<vmem>>, vector<16xf32>,
      %get3A_103 = arith.constant 176 : index
      %get3A_104 = tpu.vector_load %arg19[%get3A_103] {strides = array<i32>} : memref<192xf32, #tpu.memory_space<vmem>>, vector<16xf32>,
      %get3A_105 = arith.constant 176 : index
      %get3A_106 = tpu.vector_load %arg20[%get3A_105] {strides = array<i32>} : memref<192xf32, #tpu.memory_space<vmem>>, vector<16xf32>,
      %broadcast_in_dim3A_107 = arith.constant 0.000000e+00 : f32
      %broadcast_in_dim3A_108 = vector.broadcast %broadcast_in_dim3A_107 : f32 to vector<16xf32>
      %broadcast_in_dim3A_109 = arith.constant 0.000000e+00 : f32
      %broadcast_in_dim3A_110 = vector.broadcast %broadcast_in_dim3A_109 : f32 to vector<16xf32>
      %broadcast_in_dim3A_111 = arith.constant 0.000000e+00 : f32
      %broadcast_in_dim3A_112 = vector.broadcast %broadcast_in_dim3A_111 : f32 to vector<16xf32>
      %broadcast_in_dim3A_113 = arith.constant 0.000000e+00 : f32
      %broadcast_in_dim3A_114 = vector.broadcast %broadcast_in_dim3A_113 : f32 to vector<16xf32>
      %broadcast_in_dim3A_115 = arith.constant 0.000000e+00 : f32
      %broadcast_in_dim3A_116 = vector.broadcast %broadcast_in_dim3A_115 : f32 to vector<16xf32>
      %broadcast_in_dim3A_117 = arith.constant 0.000000e+00 : f32
      %broadcast_in_dim3A_118 = vector.broadcast %broadcast_in_dim3A_117 : f32 to vector<16xf32>
      %broadcast_in_dim3A_119 = arith.constant 0.000000e+00 : f32
      %broadcast_in_dim3A_120 = vector.broadcast %broadcast_in_dim3A_119 : f32 to vector<16xf32>
      %broadcast_in_dim3A_121 = arith.constant 0.000000e+00 : f32
      %broadcast_in_dim3A_122 = vector.broadcast %broadcast_in_dim3A_121 : f32 to vector<16xf32>
      %broadcast_in_dim3A_123 = arith.constant 0.000000e+00 : f32
      %broadcast_in_dim3A_124 = vector.broadcast %broadcast_in_dim3A_123 : f32 to vector<16xf32>
      %broadcast_in_dim3A_125 = arith.constant 0.000000e+00 : f32
      %broadcast_in_dim3A_126 = vector.broadcast %broadcast_in_dim3A_125 : f32 to vector<16xf32>
      %broadcast_in_dim3A_127 = arith.constant 0.000000e+00 : f32
      %broadcast_in_dim3A_128 = vector.broadcast %broadcast_in_dim3A_127 : f32 to vector<16xf32>
      %broadcast_in_dim3A_129 = arith.constant 0.000000e+00 : f32
      %broadcast_in_dim3A_130 = vector.broadcast %broadcast_in_dim3A_129 : f32 to vector<16xf32>
      %while3A = arith.constant 0 : i32
      %while3A_131 = arith.subi %reduce_max3A_34, %while3A : i32
      %while3A_132 = arith.addi %while3A, %while3A_131 : i32
      %while3A_133 = arith.constant 1 : i32
      %while3A_134 = arith.divsi %while3A_131, %while3A_133 : i32
      %while3A_135 = arith.muli %while3A_134, %while3A_133 : i32
      %while3A_136 = arith.addi %while3A, %while3A_135 : i32
      %while3A_137 = arith.constant 1 : i32
      %while3A_138:12 = scf.for %while3A_167 = %while3A to %while3A_136 step %while3A_137 iter_args(%while3A_168 = %broadcast_in_dim3A_108, %while3A_169 = %broadcast_in_dim3A_110, %while3A_170 = %broadcast_in_dim3A_112, %while3A_171 = %broadcast_in_dim3A_114, %while3A_172 = %broadcast_in_dim3A_116, %while3A_173 = %broadcast_in_dim3A_118, %while3A_174 = %broadcast_in_dim3A_120, %while3A_175 = %broadcast_in_dim3A_122, %while3A_176 = %broadcast_in_dim3A_124, %while3A_177 = %broadcast_in_dim3A_126, %while3A_178 = %broadcast_in_dim3A_128, %while3A_179 = %broadcast_in_dim3A_130) -> (vector<16xf32>, vector<16xf32>, vector<16xf32>, vector<16xf32>, vector<16xf32>, vector<16xf32>, vector<16xf32>, vector<16xf32>, vector<16xf32>, vector<16xf32>, vector<16xf32>, vector<16xf32>)  : i32 {
        %broadcast_in_dim3A_180 = vector.broadcast %while3A_167 : i32 to vector<16xi32>
        %gather3A = tpu.vector_load_idx %arg21[%broadcast_in_dim3A_180] : memref<2064xf32, #tpu.memory_space<vmem>>[vector<16xi32>], vector<16xf32>,
        %gather3A_181 = tpu.vector_load_idx %arg22[%broadcast_in_dim3A_180] : memref<2064xf32, #tpu.memory_space<vmem>>[vector<16xi32>], vector<16xf32>,
        %gather3A_182 = tpu.vector_load_idx %arg23[%broadcast_in_dim3A_180] : memref<2064xf32, #tpu.memory_space<vmem>>[vector<16xi32>], vector<16xf32>,
        %gather3A_183 = tpu.vector_load_idx %arg24[%broadcast_in_dim3A_180] : memref<2064xf32, #tpu.memory_space<vmem>>[vector<16xi32>], vector<16xf32>,
        %mul3A_184 = arith.mulf %get3A_36, %gather3A : vector<16xf32>
        %mul3A_185 = arith.mulf %get3A_38, %gather3A_181 : vector<16xf32>
        %add3A_186 = arith.addf %mul3A_184, %mul3A_185 : vector<16xf32>
        %mul3A_187 = arith.mulf %get3A_40, %gather3A_182 : vector<16xf32>
        %add3A_188 = arith.addf %add3A_186, %mul3A_187 : vector<16xf32>
        %exp3A = math.exp %add3A_188 : vector<16xf32>
        %mul3A_189 = arith.mulf %gather3A_183, %exp3A : vector<16xf32>
        %add3A_190 = arith.addf %while3A_168, %mul3A_189 : vector<16xf32>
        %mul3A_191 = arith.mulf %get3A_42, %gather3A : vector<16xf32>
        %mul3A_192 = arith.mulf %get3A_44, %gather3A_181 : vector<16xf32>
        %add3A_193 = arith.addf %mul3A_191, %mul3A_192 : vector<16xf32>
        %mul3A_194 = arith.mulf %get3A_46, %gather3A_182 : vector<16xf32>
        %add3A_195 = arith.addf %add3A_193, %mul3A_194 : vector<16xf32>
        %exp3A_196 = math.exp %add3A_195 : vector<16xf32>
        %mul3A_197 = arith.mulf %gather3A_183, %exp3A_196 : vector<16xf32>
        %add3A_198 = arith.addf %while3A_169, %mul3A_197 : vector<16xf32>
        %mul3A_199 = arith.mulf %get3A_48, %gather3A : vector<16xf32>
        %mul3A_200 = arith.mulf %get3A_50, %gather3A_181 : vector<16xf32>
        %add3A_201 = arith.addf %mul3A_199, %mul3A_200 : vector<16xf32>
        %mul3A_202 = arith.mulf %get3A_52, %gather3A_182 : vector<16xf32>
        %add3A_203 = arith.addf %add3A_201, %mul3A_202 : vector<16xf32>
        %exp3A_204 = math.exp %add3A_203 : vector<16xf32>
        %mul3A_205 = arith.mulf %gather3A_183, %exp3A_204 : vector<16xf32>
        %add3A_206 = arith.addf %while3A_170, %mul3A_205 : vector<16xf32>
        %mul3A_207 = arith.mulf %get3A_54, %gather3A : vector<16xf32>
        %mul3A_208 = arith.mulf %get3A_56, %gather3A_181 : vector<16xf32>
        %add3A_209 = arith.addf %mul3A_207, %mul3A_208 : vector<16xf32>
        %mul3A_210 = arith.mulf %get3A_58, %gather3A_182 : vector<16xf32>
        %add3A_211 = arith.addf %add3A_209, %mul3A_210 : vector<16xf32>
        %exp3A_212 = math.exp %add3A_211 : vector<16xf32>
        %mul3A_213 = arith.mulf %gather3A_183, %exp3A_212 : vector<16xf32>
        %add3A_214 = arith.addf %while3A_171, %mul3A_213 : vector<16xf32>
        %mul3A_215 = arith.mulf %get3A_60, %gather3A : vector<16xf32>
        %mul3A_216 = arith.mulf %get3A_62, %gather3A_181 : vector<16xf32>
        %add3A_217 = arith.addf %mul3A_215, %mul3A_216 : vector<16xf32>
        %mul3A_218 = arith.mulf %get3A_64, %gather3A_182 : vector<16xf32>
        %add3A_219 = arith.addf %add3A_217, %mul3A_218 : vector<16xf32>
        %exp3A_220 = math.exp %add3A_219 : vector<16xf32>
        %mul3A_221 = arith.mulf %gather3A_183, %exp3A_220 : vector<16xf32>
        %add3A_222 = arith.addf %while3A_172, %mul3A_221 : vector<16xf32>
        %mul3A_223 = arith.mulf %get3A_66, %gather3A : vector<16xf32>
        %mul3A_224 = arith.mulf %get3A_68, %gather3A_181 : vector<16xf32>
        %add3A_225 = arith.addf %mul3A_223, %mul3A_224 : vector<16xf32>
        %mul3A_226 = arith.mulf %get3A_70, %gather3A_182 : vector<16xf32>
        %add3A_227 = arith.addf %add3A_225, %mul3A_226 : vector<16xf32>
        %exp3A_228 = math.exp %add3A_227 : vector<16xf32>
        %mul3A_229 = arith.mulf %gather3A_183, %exp3A_228 : vector<16xf32>
        %add3A_230 = arith.addf %while3A_173, %mul3A_229 : vector<16xf32>
        %mul3A_231 = arith.mulf %get3A_72, %gather3A : vector<16xf32>
        %mul3A_232 = arith.mulf %get3A_74, %gather3A_181 : vector<16xf32>
        %add3A_233 = arith.addf %mul3A_231, %mul3A_232 : vector<16xf32>
        %mul3A_234 = arith.mulf %get3A_76, %gather3A_182 : vector<16xf32>
        %add3A_235 = arith.addf %add3A_233, %mul3A_234 : vector<16xf32>
        %exp3A_236 = math.exp %add3A_235 : vector<16xf32>
        %mul3A_237 = arith.mulf %gather3A_183, %exp3A_236 : vector<16xf32>
        %add3A_238 = arith.addf %while3A_174, %mul3A_237 : vector<16xf32>
        %mul3A_239 = arith.mulf %get3A_78, %gather3A : vector<16xf32>
        %mul3A_240 = arith.mulf %get3A_80, %gather3A_181 : vector<16xf32>
        %add3A_241 = arith.addf %mul3A_239, %mul3A_240 : vector<16xf32>
        %mul3A_242 = arith.mulf %get3A_82, %gather3A_182 : vector<16xf32>
        %add3A_243 = arith.addf %add3A_241, %mul3A_242 : vector<16xf32>
        %exp3A_244 = math.exp %add3A_243 : vector<16xf32>
        %mul3A_245 = arith.mulf %gather3A_183, %exp3A_244 : vector<16xf32>
        %add3A_246 = arith.addf %while3A_175, %mul3A_245 : vector<16xf32>
        %mul3A_247 = arith.mulf %get3A_84, %gather3A : vector<16xf32>
        %mul3A_248 = arith.mulf %get3A_86, %gather3A_181 : vector<16xf32>
        %add3A_249 = arith.addf %mul3A_247, %mul3A_248 : vector<16xf32>
        %mul3A_250 = arith.mulf %get3A_88, %gather3A_182 : vector<16xf32>
        %add3A_251 = arith.addf %add3A_249, %mul3A_250 : vector<16xf32>
        %exp3A_252 = math.exp %add3A_251 : vector<16xf32>
        %mul3A_253 = arith.mulf %gather3A_183, %exp3A_252 : vector<16xf32>
        %add3A_254 = arith.addf %while3A_176, %mul3A_253 : vector<16xf32>
        %mul3A_255 = arith.mulf %get3A_90, %gather3A : vector<16xf32>
        %mul3A_256 = arith.mulf %get3A_92, %gather3A_181 : vector<16xf32>
        %add3A_257 = arith.addf %mul3A_255, %mul3A_256 : vector<16xf32>
        %mul3A_258 = arith.mulf %get3A_94, %gather3A_182 : vector<16xf32>
        %add3A_259 = arith.addf %add3A_257, %mul3A_258 : vector<16xf32>
        %exp3A_260 = math.exp %add3A_259 : vector<16xf32>
        %mul3A_261 = arith.mulf %gather3A_183, %exp3A_260 : vector<16xf32>
        %add3A_262 = arith.addf %while3A_177, %mul3A_261 : vector<16xf32>
        %mul3A_263 = arith.mulf %get3A_96, %gather3A : vector<16xf32>
        %mul3A_264 = arith.mulf %get3A_98, %gather3A_181 : vector<16xf32>
        %add3A_265 = arith.addf %mul3A_263, %mul3A_264 : vector<16xf32>
        %mul3A_266 = arith.mulf %get3A_100, %gather3A_182 : vector<16xf32>
        %add3A_267 = arith.addf %add3A_265, %mul3A_266 : vector<16xf32>
        %exp3A_268 = math.exp %add3A_267 : vector<16xf32>
        %mul3A_269 = arith.mulf %gather3A_183, %exp3A_268 : vector<16xf32>
        %add3A_270 = arith.addf %while3A_178, %mul3A_269 : vector<16xf32>
        %mul3A_271 = arith.mulf %get3A_102, %gather3A : vector<16xf32>
        %mul3A_272 = arith.mulf %get3A_104, %gather3A_181 : vector<16xf32>
        %add3A_273 = arith.addf %mul3A_271, %mul3A_272 : vector<16xf32>
        %mul3A_274 = arith.mulf %get3A_106, %gather3A_182 : vector<16xf32>
        %add3A_275 = arith.addf %add3A_273, %mul3A_274 : vector<16xf32>
        %exp3A_276 = math.exp %add3A_275 : vector<16xf32>
        %mul3A_277 = arith.mulf %gather3A_183, %exp3A_276 : vector<16xf32>
        %add3A_278 = arith.addf %while3A_179, %mul3A_277 : vector<16xf32>
        scf.yield %add3A_190, %add3A_198, %add3A_206, %add3A_214, %add3A_222, %add3A_230, %add3A_238, %add3A_246, %add3A_254, %add3A_262, %add3A_270, %add3A_278 : vector<16xf32>, vector<16xf32>, vector<16xf32>, vector<16xf32>, vector<16xf32>, vector<16xf32>, vector<16xf32>, vector<16xf32>, vector<16xf32>, vector<16xf32>, vector<16xf32>, vector<16xf32>
      }
      %while3A_139 = arith.constant 1 : i32
      %while3A_140:12 = scf.for %while3A_167 = %while3A_136 to %while3A_132 step %while3A_139 iter_args(%while3A_168 = %while3A_138#0, %while3A_169 = %while3A_138#1, %while3A_170 = %while3A_138#2, %while3A_171 = %while3A_138#3, %while3A_172 = %while3A_138#4, %while3A_173 = %while3A_138#5, %while3A_174 = %while3A_138#6, %while3A_175 = %while3A_138#7, %while3A_176 = %while3A_138#8, %while3A_177 = %while3A_138#9, %while3A_178 = %while3A_138#10, %while3A_179 = %while3A_138#11) -> (vector<16xf32>, vector<16xf32>, vector<16xf32>, vector<16xf32>, vector<16xf32>, vector<16xf32>, vector<16xf32>, vector<16xf32>, vector<16xf32>, vector<16xf32>, vector<16xf32>, vector<16xf32>)  : i32 {
        %broadcast_in_dim3A_180 = vector.broadcast %while3A_167 : i32 to vector<16xi32>
        %gather3A = tpu.vector_load_idx %arg21[%broadcast_in_dim3A_180] : memref<2064xf32, #tpu.memory_space<vmem>>[vector<16xi32>], vector<16xf32>,
        %gather3A_181 = tpu.vector_load_idx %arg22[%broadcast_in_dim3A_180] : memref<2064xf32, #tpu.memory_space<vmem>>[vector<16xi32>], vector<16xf32>,
        %gather3A_182 = tpu.vector_load_idx %arg23[%broadcast_in_dim3A_180] : memref<2064xf32, #tpu.memory_space<vmem>>[vector<16xi32>], vector<16xf32>,
        %gather3A_183 = tpu.vector_load_idx %arg24[%broadcast_in_dim3A_180] : memref<2064xf32, #tpu.memory_space<vmem>>[vector<16xi32>], vector<16xf32>,
        %mul3A_184 = arith.mulf %get3A_36, %gather3A : vector<16xf32>
        %mul3A_185 = arith.mulf %get3A_38, %gather3A_181 : vector<16xf32>
        %add3A_186 = arith.addf %mul3A_184, %mul3A_185 : vector<16xf32>
        %mul3A_187 = arith.mulf %get3A_40, %gather3A_182 : vector<16xf32>
        %add3A_188 = arith.addf %add3A_186, %mul3A_187 : vector<16xf32>
        %exp3A = math.exp %add3A_188 : vector<16xf32>
        %mul3A_189 = arith.mulf %gather3A_183, %exp3A : vector<16xf32>
        %add3A_190 = arith.addf %while3A_168, %mul3A_189 : vector<16xf32>
        %mul3A_191 = arith.mulf %get3A_42, %gather3A : vector<16xf32>
        %mul3A_192 = arith.mulf %get3A_44, %gather3A_181 : vector<16xf32>
        %add3A_193 = arith.addf %mul3A_191, %mul3A_192 : vector<16xf32>
        %mul3A_194 = arith.mulf %get3A_46, %gather3A_182 : vector<16xf32>
        %add3A_195 = arith.addf %add3A_193, %mul3A_194 : vector<16xf32>
        %exp3A_196 = math.exp %add3A_195 : vector<16xf32>
        %mul3A_197 = arith.mulf %gather3A_183, %exp3A_196 : vector<16xf32>
        %add3A_198 = arith.addf %while3A_169, %mul3A_197 : vector<16xf32>
        %mul3A_199 = arith.mulf %get3A_48, %gather3A : vector<16xf32>
        %mul3A_200 = arith.mulf %get3A_50, %gather3A_181 : vector<16xf32>
        %add3A_201 = arith.addf %mul3A_199, %mul3A_200 : vector<16xf32>
        %mul3A_202 = arith.mulf %get3A_52, %gather3A_182 : vector<16xf32>
        %add3A_203 = arith.addf %add3A_201, %mul3A_202 : vector<16xf32>
        %exp3A_204 = math.exp %add3A_203 : vector<16xf32>
        %mul3A_205 = arith.mulf %gather3A_183, %exp3A_204 : vector<16xf32>
        %add3A_206 = arith.addf %while3A_170, %mul3A_205 : vector<16xf32>
        %mul3A_207 = arith.mulf %get3A_54, %gather3A : vector<16xf32>
        %mul3A_208 = arith.mulf %get3A_56, %gather3A_181 : vector<16xf32>
        %add3A_209 = arith.addf %mul3A_207, %mul3A_208 : vector<16xf32>
        %mul3A_210 = arith.mulf %get3A_58, %gather3A_182 : vector<16xf32>
        %add3A_211 = arith.addf %add3A_209, %mul3A_210 : vector<16xf32>
        %exp3A_212 = math.exp %add3A_211 : vector<16xf32>
        %mul3A_213 = arith.mulf %gather3A_183, %exp3A_212 : vector<16xf32>
        %add3A_214 = arith.addf %while3A_171, %mul3A_213 : vector<16xf32>
        %mul3A_215 = arith.mulf %get3A_60, %gather3A : vector<16xf32>
        %mul3A_216 = arith.mulf %get3A_62, %gather3A_181 : vector<16xf32>
        %add3A_217 = arith.addf %mul3A_215, %mul3A_216 : vector<16xf32>
        %mul3A_218 = arith.mulf %get3A_64, %gather3A_182 : vector<16xf32>
        %add3A_219 = arith.addf %add3A_217, %mul3A_218 : vector<16xf32>
        %exp3A_220 = math.exp %add3A_219 : vector<16xf32>
        %mul3A_221 = arith.mulf %gather3A_183, %exp3A_220 : vector<16xf32>
        %add3A_222 = arith.addf %while3A_172, %mul3A_221 : vector<16xf32>
        %mul3A_223 = arith.mulf %get3A_66, %gather3A : vector<16xf32>
        %mul3A_224 = arith.mulf %get3A_68, %gather3A_181 : vector<16xf32>
        %add3A_225 = arith.addf %mul3A_223, %mul3A_224 : vector<16xf32>
        %mul3A_226 = arith.mulf %get3A_70, %gather3A_182 : vector<16xf32>
        %add3A_227 = arith.addf %add3A_225, %mul3A_226 : vector<16xf32>
        %exp3A_228 = math.exp %add3A_227 : vector<16xf32>
        %mul3A_229 = arith.mulf %gather3A_183, %exp3A_228 : vector<16xf32>
        %add3A_230 = arith.addf %while3A_173, %mul3A_229 : vector<16xf32>
        %mul3A_231 = arith.mulf %get3A_72, %gather3A : vector<16xf32>
        %mul3A_232 = arith.mulf %get3A_74, %gather3A_181 : vector<16xf32>
        %add3A_233 = arith.addf %mul3A_231, %mul3A_232 : vector<16xf32>
        %mul3A_234 = arith.mulf %get3A_76, %gather3A_182 : vector<16xf32>
        %add3A_235 = arith.addf %add3A_233, %mul3A_234 : vector<16xf32>
        %exp3A_236 = math.exp %add3A_235 : vector<16xf32>
        %mul3A_237 = arith.mulf %gather3A_183, %exp3A_236 : vector<16xf32>
        %add3A_238 = arith.addf %while3A_174, %mul3A_237 : vector<16xf32>
        %mul3A_239 = arith.mulf %get3A_78, %gather3A : vector<16xf32>
        %mul3A_240 = arith.mulf %get3A_80, %gather3A_181 : vector<16xf32>
        %add3A_241 = arith.addf %mul3A_239, %mul3A_240 : vector<16xf32>
        %mul3A_242 = arith.mulf %get3A_82, %gather3A_182 : vector<16xf32>
        %add3A_243 = arith.addf %add3A_241, %mul3A_242 : vector<16xf32>
        %exp3A_244 = math.exp %add3A_243 : vector<16xf32>
        %mul3A_245 = arith.mulf %gather3A_183, %exp3A_244 : vector<16xf32>
        %add3A_246 = arith.addf %while3A_175, %mul3A_245 : vector<16xf32>
        %mul3A_247 = arith.mulf %get3A_84, %gather3A : vector<16xf32>
        %mul3A_248 = arith.mulf %get3A_86, %gather3A_181 : vector<16xf32>
        %add3A_249 = arith.addf %mul3A_247, %mul3A_248 : vector<16xf32>
        %mul3A_250 = arith.mulf %get3A_88, %gather3A_182 : vector<16xf32>
        %add3A_251 = arith.addf %add3A_249, %mul3A_250 : vector<16xf32>
        %exp3A_252 = math.exp %add3A_251 : vector<16xf32>
        %mul3A_253 = arith.mulf %gather3A_183, %exp3A_252 : vector<16xf32>
        %add3A_254 = arith.addf %while3A_176, %mul3A_253 : vector<16xf32>
        %mul3A_255 = arith.mulf %get3A_90, %gather3A : vector<16xf32>
        %mul3A_256 = arith.mulf %get3A_92, %gather3A_181 : vector<16xf32>
        %add3A_257 = arith.addf %mul3A_255, %mul3A_256 : vector<16xf32>
        %mul3A_258 = arith.mulf %get3A_94, %gather3A_182 : vector<16xf32>
        %add3A_259 = arith.addf %add3A_257, %mul3A_258 : vector<16xf32>
        %exp3A_260 = math.exp %add3A_259 : vector<16xf32>
        %mul3A_261 = arith.mulf %gather3A_183, %exp3A_260 : vector<16xf32>
        %add3A_262 = arith.addf %while3A_177, %mul3A_261 : vector<16xf32>
        %mul3A_263 = arith.mulf %get3A_96, %gather3A : vector<16xf32>
        %mul3A_264 = arith.mulf %get3A_98, %gather3A_181 : vector<16xf32>
        %add3A_265 = arith.addf %mul3A_263, %mul3A_264 : vector<16xf32>
        %mul3A_266 = arith.mulf %get3A_100, %gather3A_182 : vector<16xf32>
        %add3A_267 = arith.addf %add3A_265, %mul3A_266 : vector<16xf32>
        %exp3A_268 = math.exp %add3A_267 : vector<16xf32>
        %mul3A_269 = arith.mulf %gather3A_183, %exp3A_268 : vector<16xf32>
        %add3A_270 = arith.addf %while3A_178, %mul3A_269 : vector<16xf32>
        %mul3A_271 = arith.mulf %get3A_102, %gather3A : vector<16xf32>
        %mul3A_272 = arith.mulf %get3A_104, %gather3A_181 : vector<16xf32>
        %add3A_273 = arith.addf %mul3A_271, %mul3A_272 : vector<16xf32>
        %mul3A_274 = arith.mulf %get3A_106, %gather3A_182 : vector<16xf32>
        %add3A_275 = arith.addf %add3A_273, %mul3A_274 : vector<16xf32>
        %exp3A_276 = math.exp %add3A_275 : vector<16xf32>
        %mul3A_277 = arith.mulf %gather3A_183, %exp3A_276 : vector<16xf32>
        %add3A_278 = arith.addf %while3A_179, %mul3A_277 : vector<16xf32>
        scf.yield %add3A_190, %add3A_198, %add3A_206, %add3A_214, %add3A_222, %add3A_230, %add3A_238, %add3A_246, %add3A_254, %add3A_262, %add3A_270, %add3A_278 : vector<16xf32>, vector<16xf32>, vector<16xf32>, vector<16xf32>, vector<16xf32>, vector<16xf32>, vector<16xf32>, vector<16xf32>, vector<16xf32>, vector<16xf32>, vector<16xf32>, vector<16xf32>
      }
      %swap3A = arith.constant 0 : index
      %swap3A_141 = tpu.vector_load %arg25[%swap3A] {strides = array<i32>} : memref<192xf32, #tpu.memory_space<vmem>>, vector<16xf32>,
      tpu.vector_store %arg25[%swap3A], %while3A_140#0 {strides = array<i32>} : memref<192xf32, #tpu.memory_space<vmem>>, vector<16xf32>,
      %swap3A_142 = arith.constant 16 : index
      %swap3A_143 = tpu.vector_load %arg25[%swap3A_142] {strides = array<i32>} : memref<192xf32, #tpu.memory_space<vmem>>, vector<16xf32>,
      tpu.vector_store %arg25[%swap3A_142], %while3A_140#1 {strides = array<i32>} : memref<192xf32, #tpu.memory_space<vmem>>, vector<16xf32>,
      %swap3A_144 = arith.constant 32 : index
      %swap3A_145 = tpu.vector_load %arg25[%swap3A_144] {strides = array<i32>} : memref<192xf32, #tpu.memory_space<vmem>>, vector<16xf32>,
      tpu.vector_store %arg25[%swap3A_144], %while3A_140#2 {strides = array<i32>} : memref<192xf32, #tpu.memory_space<vmem>>, vector<16xf32>,
      %swap3A_146 = arith.constant 48 : index
      %swap3A_147 = tpu.vector_load %arg25[%swap3A_146] {strides = array<i32>} : memref<192xf32, #tpu.memory_space<vmem>>, vector<16xf32>,
      tpu.vector_store %arg25[%swap3A_146], %while3A_140#3 {strides = array<i32>} : memref<192xf32, #tpu.memory_space<vmem>>, vector<16xf32>,
      %swap3A_148 = arith.constant 64 : index
      %swap3A_149 = tpu.vector_load %arg25[%swap3A_148] {strides = array<i32>} : memref<192xf32, #tpu.memory_space<vmem>>, vector<16xf32>,
      tpu.vector_store %arg25[%swap3A_148], %while3A_140#4 {strides = array<i32>} : memref<192xf32, #tpu.memory_space<vmem>>, vector<16xf32>,
      %swap3A_150 = arith.constant 80 : index
      %swap3A_151 = tpu.vector_load %arg25[%swap3A_150] {strides = array<i32>} : memref<192xf32, #tpu.memory_space<vmem>>, vector<16xf32>,
      tpu.vector_store %arg25[%swap3A_150], %while3A_140#5 {strides = array<i32>} : memref<192xf32, #tpu.memory_space<vmem>>, vector<16xf32>,
      %swap3A_152 = arith.constant 96 : index
      %swap3A_153 = tpu.vector_load %arg25[%swap3A_152] {strides = array<i32>} : memref<192xf32, #tpu.memory_space<vmem>>, vector<16xf32>,
      tpu.vector_store %arg25[%swap3A_152], %while3A_140#6 {strides = array<i32>} : memref<192xf32, #tpu.memory_space<vmem>>, vector<16xf32>,
      %swap3A_154 = arith.constant 112 : index
      %swap3A_155 = tpu.vector_load %arg25[%swap3A_154] {strides = array<i32>} : memref<192xf32, #tpu.memory_space<vmem>>, vector<16xf32>,
      tpu.vector_store %arg25[%swap3A_154], %while3A_140#7 {strides = array<i32>} : memref<192xf32, #tpu.memory_space<vmem>>, vector<16xf32>,
      %swap3A_156 = arith.constant 128 : index
      %swap3A_157 = tpu.vector_load %arg25[%swap3A_156] {strides = array<i32>} : memref<192xf32, #tpu.memory_space<vmem>>, vector<16xf32>,
      tpu.vector_store %arg25[%swap3A_156], %while3A_140#8 {strides = array<i32>} : memref<192xf32, #tpu.memory_space<vmem>>, vector<16xf32>,
      %swap3A_158 = arith.constant 144 : index
      %swap3A_159 = tpu.vector_load %arg25[%swap3A_158] {strides = array<i32>} : memref<192xf32, #tpu.memory_space<vmem>>, vector<16xf32>,
      tpu.vector_store %arg25[%swap3A_158], %while3A_140#9 {strides = array<i32>} : memref<192xf32, #tpu.memory_space<vmem>>, vector<16xf32>,
      %swap3A_160 = arith.constant 160 : index
      %swap3A_161 = tpu.vector_load %arg25[%swap3A_160] {strides = array<i32>} : memref<192xf32, #tpu.memory_space<vmem>>, vector<16xf32>,
      tpu.vector_store %arg25[%swap3A_160], %while3A_140#10 {strides = array<i32>} : memref<192xf32, #tpu.memory_space<vmem>>, vector<16xf32>,
      %swap3A_162 = arith.constant 176 : index
      %swap3A_163 = tpu.vector_load %arg25[%swap3A_162] {strides = array<i32>} : memref<192xf32, #tpu.memory_space<vmem>>, vector<16xf32>,
      tpu.vector_store %arg25[%swap3A_162], %while3A_140#11 {strides = array<i32>} : memref<192xf32, #tpu.memory_space<vmem>>, vector<16xf32>,
      %mul3A_164 = arith.constant 192 : i32
      %mul3A_165 = arith.muli %add3A_11, %mul3A_164 : i32
      "tpu.region"() ({
        %run_scoped3A = tpu.sem_alloc : memref<!tpu.dma_semaphore, #tpu.memory_space<semaphore_mem>>
        %dma_start3A = tpu.memref_slice %arg11[%mul3A_165] : memref<24576xf32, #tpu.memory_space<hbm>> -> memref<192xf32, #tpu.memory_space<hbm>>
        %dma_start3A_167 = tpu.memref_slice %arg11[%mul3A_165] : memref<24576xf32, #tpu.memory_space<hbm>> -> memref<192xf32, #tpu.memory_space<hbm>>
        tpu.enqueue_dma source(%arg25 : memref<192xf32, #tpu.memory_space<vmem>>) target(%dma_start3A_167 : memref<192xf32, #tpu.memory_space<hbm>>) target_semaphore(%run_scoped3A : memref<!tpu.dma_semaphore, #tpu.memory_space<semaphore_mem>>)
        %dma_wait3A = tpu.memref_slice %arg11[%mul3A_165] : memref<24576xf32, #tpu.memory_space<hbm>> -> memref<192xf32, #tpu.memory_space<hbm>>
        %dma_wait3A_168 = tpu.memref_slice %arg11[%mul3A_165] : memref<24576xf32, #tpu.memory_space<hbm>> -> memref<192xf32, #tpu.memory_space<hbm>>
        tpu.wait_dma2 semaphore(%run_scoped3A : memref<!tpu.dma_semaphore, #tpu.memory_space<semaphore_mem>>) src(%arg25 : memref<192xf32, #tpu.memory_space<vmem>>) dst(%dma_wait3A_168 : memref<192xf32, #tpu.memory_space<hbm>>)
        tpu.yield
      }) : () -> ()
      %scan3A_166 = arith.constant 0 : i32
      scf.yield %scan3A_166 : i32
    }
    %scan3A_6 = arith.constant 4 : i32
    return
  }
}

module attributes {stable_mosaic.version = 14 : i64} {
  func.func @_tc_body(%arg0: memref<2048x3xf32, #tpu.memory_space<vmem>>, %arg1: memref<2x3x64xf32, #tpu.memory_space<vmem>>, %arg2: memref<128x16xf32, #tpu.memory_space<vmem>>, %arg3: memref<128x192xf32, #tpu.memory_space<vmem>>, %arg4: memref<3x192xf32, #tpu.memory_space<vmem>>, %arg5: memref<1x192xf32, #tpu.memory_space<vmem>>, %arg6: memref<128x1536xf32, #tpu.memory_space<vmem>>) attributes {dimension_semantics = [], scalar_prefetch = 0 : i64, scratch_operands = 0 : i64, tpu.core_type = #tpu.core_type<tc>} {
    %get3A = arith.constant 0 : index
    %get3A_0 = arith.constant 0 : index
    %get3A_1 = vector.load %arg0[%get3A, %get3A_0] : memref<2048x3xf32, #tpu.memory_space<vmem>>, vector<2048x3xf32>
    %get3A_2 = arith.constant 0 : index
    %get3A_3 = arith.constant 0 : index
    %get3A_4 = vector.load %arg4[%get3A_2, %get3A_3] : memref<3x192xf32, #tpu.memory_space<vmem>>, vector<3x192xf32>
    %get3A_5 = arith.constant 0 : index
    %get3A_6 = arith.constant 0 : index
    %get3A_7 = arith.constant 0 : index
    %get3A_8 = vector.load %arg1[%get3A_5, %get3A_6, %get3A_7] : memref<2x3x64xf32, #tpu.memory_space<vmem>>, vector<1x3x64xf32>
    %get3A_9 = vector.shape_cast %get3A_8 : vector<1x3x64xf32> to vector<3x64xf32>
    %transpose3A = tpu.transpose %get3A_9, [1, 0] : vector<3x64xf32> -> vector<64x3xf32>
    %get3A_10 = arith.constant 1 : index
    %get3A_11 = arith.constant 0 : index
    %get3A_12 = arith.constant 0 : index
    %get3A_13 = vector.load %arg1[%get3A_10, %get3A_11, %get3A_12] : memref<2x3x64xf32, #tpu.memory_space<vmem>>, vector<1x3x64xf32>
    %get3A_14 = vector.shape_cast %get3A_13 : vector<1x3x64xf32> to vector<3x64xf32>
    %transpose3A_15 = tpu.transpose %get3A_14, [1, 0] : vector<3x64xf32> -> vector<64x3xf32>
    %concatenate3A = tpu.concatenate %transpose3A, %transpose3A_15 in 0 : vector<64x3xf32>, vector<64x3xf32> -> vector<128x3xf32>
    %transpose3A_16 = tpu.transpose %concatenate3A, [1, 0] : vector<128x3xf32> -> vector<3x128xf32>
    %slice3A = vector.extract_strided_slice %get3A_1 {offsets = [0, 0], sizes = [2048, 1], strides = [1, 1]} : vector<2048x3xf32> to vector<2048x1xf32>
    %slice3A_17 = vector.extract_strided_slice %transpose3A_16 {offsets = [0, 0], sizes = [1, 128], strides = [1, 1]} : vector<3x128xf32> to vector<1x128xf32>
    %sub3A = vector.broadcast %slice3A : vector<2048x1xf32> to vector<2048x128xf32>
    %sub3A_18 = vector.broadcast %slice3A_17 : vector<1x128xf32> to vector<2048x128xf32>
    %sub3A_19 = arith.subf %sub3A, %sub3A_18 : vector<2048x128xf32>
    %slice3A_20 = vector.extract_strided_slice %get3A_1 {offsets = [0, 1], sizes = [2048, 1], strides = [1, 1]} : vector<2048x3xf32> to vector<2048x1xf32>
    %slice3A_21 = vector.extract_strided_slice %transpose3A_16 {offsets = [1, 0], sizes = [1, 128], strides = [1, 1]} : vector<3x128xf32> to vector<1x128xf32>
    %sub3A_22 = vector.broadcast %slice3A_20 : vector<2048x1xf32> to vector<2048x128xf32>
    %sub3A_23 = vector.broadcast %slice3A_21 : vector<1x128xf32> to vector<2048x128xf32>
    %sub3A_24 = arith.subf %sub3A_22, %sub3A_23 : vector<2048x128xf32>
    %slice3A_25 = vector.extract_strided_slice %get3A_1 {offsets = [0, 2], sizes = [2048, 1], strides = [1, 1]} : vector<2048x3xf32> to vector<2048x1xf32>
    %slice3A_26 = vector.extract_strided_slice %transpose3A_16 {offsets = [2, 0], sizes = [1, 128], strides = [1, 1]} : vector<3x128xf32> to vector<1x128xf32>
    %sub3A_27 = vector.broadcast %slice3A_25 : vector<2048x1xf32> to vector<2048x128xf32>
    %sub3A_28 = vector.broadcast %slice3A_26 : vector<1x128xf32> to vector<2048x128xf32>
    %sub3A_29 = arith.subf %sub3A_27, %sub3A_28 : vector<2048x128xf32>
    %mul3A = arith.mulf %sub3A_19, %sub3A_19 : vector<2048x128xf32>
    %mul3A_30 = arith.mulf %sub3A_24, %sub3A_24 : vector<2048x128xf32>
    %add3A = arith.addf %mul3A, %mul3A_30 : vector<2048x128xf32>
    %mul3A_31 = arith.mulf %sub3A_29, %sub3A_29 : vector<2048x128xf32>
    %add3A_32 = arith.addf %add3A, %mul3A_31 : vector<2048x128xf32>
    %lt3A = arith.constant 1.600000e-01 : f32
    %lt3A_33 = vector.broadcast %lt3A : f32 to vector<2048x128xf32>
    %lt3A_34 = arith.cmpf olt, %add3A_32, %lt3A_33 : vector<2048x128xf32>
    %jit3A = arith.constant 1.000000e+00 : f32
    %jit3A_35 = arith.constant 0.000000e+00 : f32
    %broadcast_in_dim3A = vector.broadcast %jit3A : f32 to vector<2048x128xf32>
    %broadcast_in_dim3A_36 = vector.broadcast %jit3A_35 : f32 to vector<2048x128xf32>
    %select_n3A = arith.select %lt3A_34, %broadcast_in_dim3A, %broadcast_in_dim3A_36 : vector<2048x128xi1>, vector<2048x128xf32>
    %reduce_sum3A = arith.constant dense<0.000000e+00> : vector<128xf32>
    %reduce_sum3A_37 = vector.multi_reduction <add>, %select_n3A, %reduce_sum3A [0] : vector<2048x128xf32> to vector<128xf32>
    %broadcast_in_dim3A_38 = vector.shape_cast %reduce_sum3A_37 : vector<128xf32> to vector<1x128xf32>
    %transpose3A_39 = tpu.transpose %broadcast_in_dim3A_38, [1, 0] : vector<1x128xf32> -> vector<128x1xf32>
    %slice3A_40 = vector.extract_strided_slice %concatenate3A {offsets = [0, 0], sizes = [128, 1], strides = [1, 1]} : vector<128x3xf32> to vector<128x1xf32>
    %slice3A_41 = vector.extract_strided_slice %get3A_4 {offsets = [0, 0], sizes = [1, 192], strides = [1, 1]} : vector<3x192xf32> to vector<1x192xf32>
    %mul3A_42 = vector.broadcast %slice3A_40 : vector<128x1xf32> to vector<128x192xf32>
    %mul3A_43 = vector.broadcast %slice3A_41 : vector<1x192xf32> to vector<128x192xf32>
    %mul3A_44 = arith.mulf %mul3A_42, %mul3A_43 : vector<128x192xf32>
    %slice3A_45 = vector.extract_strided_slice %concatenate3A {offsets = [0, 1], sizes = [128, 1], strides = [1, 1]} : vector<128x3xf32> to vector<128x1xf32>
    %slice3A_46 = vector.extract_strided_slice %get3A_4 {offsets = [1, 0], sizes = [1, 192], strides = [1, 1]} : vector<3x192xf32> to vector<1x192xf32>
    %mul3A_47 = vector.broadcast %slice3A_45 : vector<128x1xf32> to vector<128x192xf32>
    %mul3A_48 = vector.broadcast %slice3A_46 : vector<1x192xf32> to vector<128x192xf32>
    %mul3A_49 = arith.mulf %mul3A_47, %mul3A_48 : vector<128x192xf32>
    %add3A_50 = arith.addf %mul3A_44, %mul3A_49 : vector<128x192xf32>
    %slice3A_51 = vector.extract_strided_slice %concatenate3A {offsets = [0, 2], sizes = [128, 1], strides = [1, 1]} : vector<128x3xf32> to vector<128x1xf32>
    %slice3A_52 = vector.extract_strided_slice %get3A_4 {offsets = [2, 0], sizes = [1, 192], strides = [1, 1]} : vector<3x192xf32> to vector<1x192xf32>
    %mul3A_53 = vector.broadcast %slice3A_51 : vector<128x1xf32> to vector<128x192xf32>
    %mul3A_54 = vector.broadcast %slice3A_52 : vector<1x192xf32> to vector<128x192xf32>
    %mul3A_55 = arith.mulf %mul3A_53, %mul3A_54 : vector<128x192xf32>
    %add3A_56 = arith.addf %add3A_50, %mul3A_55 : vector<128x192xf32>
    %get3A_57 = arith.constant 0 : index
    %get3A_58 = arith.constant 0 : index
    %get3A_59 = vector.load %arg5[%get3A_57, %get3A_58] : memref<1x192xf32, #tpu.memory_space<vmem>>, vector<1x192xf32>
    %mul3A_60 = arith.constant -5.000000e+00 : f32
    %mul3A_61 = vector.broadcast %mul3A_60 : f32 to vector<1x192xf32>
    %mul3A_62 = arith.mulf %get3A_59, %mul3A_61 : vector<1x192xf32>
    %mul3A_63 = arith.constant 1.000000e+01 : f32
    %mul3A_64 = vector.broadcast %mul3A_63 : f32 to vector<128x192xf32>
    %mul3A_65 = arith.mulf %add3A_56, %mul3A_64 : vector<128x192xf32>
    %sub3A_66 = vector.broadcast %mul3A_62 : vector<1x192xf32> to vector<128x192xf32>
    %sub3A_67 = arith.subf %sub3A_66, %mul3A_65 : vector<128x192xf32>
    %exp3A = math.exp %sub3A_67 : vector<128x192xf32>
    %get3A_68 = arith.constant 0 : index
    %get3A_69 = arith.constant 0 : index
    %get3A_70 = vector.load %arg3[%get3A_68, %get3A_69] : memref<128x192xf32, #tpu.memory_space<vmem>>, vector<128x192xf32>
    %mul3A_71 = arith.mulf %get3A_70, %exp3A : vector<128x192xf32>
    %add3A_72 = arith.constant 1.000000e+00 : f32
    %add3A_73 = vector.broadcast %add3A_72 : f32 to vector<128x1xf32>
    %add3A_74 = arith.addf %transpose3A_39, %add3A_73 : vector<128x1xf32>
    %div3A = vector.broadcast %add3A_74 : vector<128x1xf32> to vector<128x192xf32>
    %div3A_75 = arith.divf %mul3A_71, %div3A : vector<128x192xf32>
    %get3A_76 = arith.constant 0 : index
    %get3A_77 = arith.constant 0 : index
    %get3A_78 = vector.load %arg2[%get3A_76, %get3A_77] : memref<128x16xf32, #tpu.memory_space<vmem>>, vector<128x16xf32>
    %transpose3A_79 = tpu.transpose %get3A_78, [1, 0] : vector<128x16xf32> -> vector<16x128xf32>
    %slice3A_80 = vector.extract_strided_slice %div3A_75 {offsets = [0, 0], sizes = [128, 16], strides = [1, 1]} : vector<128x192xf32> to vector<128x16xf32>
    %dot_general3A = arith.constant dense<0.000000e+00> : vector<128x128xf32>
    %dot_general3A_81 = tpu.matmul %slice3A_80, %transpose3A_79, %dot_general3A {dimension_numbers = #tpu.dot_dimension_numbers<[1], [0], [0], [1], [0, 0, 1, 1], [], []>, precision = #tpu.contract_precision<fp32>, transpose_lhs_hint = false} : vector<128x16xf32>, vector<16x128xf32>, vector<128x128xf32> -> vector<128x128xf32>
    %swap3A = arith.constant 0 : index
    %swap3A_82 = arith.constant 0 : index
    %swap3A_83 = vector.load %arg6[%swap3A, %swap3A_82] : memref<128x1536xf32, #tpu.memory_space<vmem>>, vector<128x128xf32>
    tpu.vector_store %arg6[%swap3A, %swap3A_82], %dot_general3A_81 {strides = array<i32>} : memref<128x1536xf32, #tpu.memory_space<vmem>>, vector<128x128xf32>,
    %slice3A_84 = vector.extract_strided_slice %div3A_75 {offsets = [0, 16], sizes = [128, 16], strides = [1, 1]} : vector<128x192xf32> to vector<128x16xf32>
    %dot_general3A_85 = arith.constant dense<0.000000e+00> : vector<128x128xf32>
    %dot_general3A_86 = tpu.matmul %slice3A_84, %transpose3A_79, %dot_general3A_85 {dimension_numbers = #tpu.dot_dimension_numbers<[1], [0], [0], [1], [0, 0, 1, 1], [], []>, precision = #tpu.contract_precision<fp32>, transpose_lhs_hint = false} : vector<128x16xf32>, vector<16x128xf32>, vector<128x128xf32> -> vector<128x128xf32>
    %swap3A_87 = arith.constant 0 : index
    %swap3A_88 = arith.constant 128 : index
    %swap3A_89 = vector.load %arg6[%swap3A_87, %swap3A_88] : memref<128x1536xf32, #tpu.memory_space<vmem>>, vector<128x128xf32>
    tpu.vector_store %arg6[%swap3A_87, %swap3A_88], %dot_general3A_86 {strides = array<i32>} : memref<128x1536xf32, #tpu.memory_space<vmem>>, vector<128x128xf32>,
    %slice3A_90 = vector.extract_strided_slice %div3A_75 {offsets = [0, 32], sizes = [128, 16], strides = [1, 1]} : vector<128x192xf32> to vector<128x16xf32>
    %dot_general3A_91 = arith.constant dense<0.000000e+00> : vector<128x128xf32>
    %dot_general3A_92 = tpu.matmul %slice3A_90, %transpose3A_79, %dot_general3A_91 {dimension_numbers = #tpu.dot_dimension_numbers<[1], [0], [0], [1], [0, 0, 1, 1], [], []>, precision = #tpu.contract_precision<fp32>, transpose_lhs_hint = false} : vector<128x16xf32>, vector<16x128xf32>, vector<128x128xf32> -> vector<128x128xf32>
    %swap3A_93 = arith.constant 0 : index
    %swap3A_94 = arith.constant 256 : index
    %swap3A_95 = vector.load %arg6[%swap3A_93, %swap3A_94] : memref<128x1536xf32, #tpu.memory_space<vmem>>, vector<128x128xf32>
    tpu.vector_store %arg6[%swap3A_93, %swap3A_94], %dot_general3A_92 {strides = array<i32>} : memref<128x1536xf32, #tpu.memory_space<vmem>>, vector<128x128xf32>,
    %slice3A_96 = vector.extract_strided_slice %div3A_75 {offsets = [0, 48], sizes = [128, 16], strides = [1, 1]} : vector<128x192xf32> to vector<128x16xf32>
    %dot_general3A_97 = arith.constant dense<0.000000e+00> : vector<128x128xf32>
    %dot_general3A_98 = tpu.matmul %slice3A_96, %transpose3A_79, %dot_general3A_97 {dimension_numbers = #tpu.dot_dimension_numbers<[1], [0], [0], [1], [0, 0, 1, 1], [], []>, precision = #tpu.contract_precision<fp32>, transpose_lhs_hint = false} : vector<128x16xf32>, vector<16x128xf32>, vector<128x128xf32> -> vector<128x128xf32>
    %swap3A_99 = arith.constant 0 : index
    %swap3A_100 = arith.constant 384 : index
    %swap3A_101 = vector.load %arg6[%swap3A_99, %swap3A_100] : memref<128x1536xf32, #tpu.memory_space<vmem>>, vector<128x128xf32>
    tpu.vector_store %arg6[%swap3A_99, %swap3A_100], %dot_general3A_98 {strides = array<i32>} : memref<128x1536xf32, #tpu.memory_space<vmem>>, vector<128x128xf32>,
    %slice3A_102 = vector.extract_strided_slice %div3A_75 {offsets = [0, 64], sizes = [128, 16], strides = [1, 1]} : vector<128x192xf32> to vector<128x16xf32>
    %dot_general3A_103 = arith.constant dense<0.000000e+00> : vector<128x128xf32>
    %dot_general3A_104 = tpu.matmul %slice3A_102, %transpose3A_79, %dot_general3A_103 {dimension_numbers = #tpu.dot_dimension_numbers<[1], [0], [0], [1], [0, 0, 1, 1], [], []>, precision = #tpu.contract_precision<fp32>, transpose_lhs_hint = false} : vector<128x16xf32>, vector<16x128xf32>, vector<128x128xf32> -> vector<128x128xf32>
    %swap3A_105 = arith.constant 0 : index
    %swap3A_106 = arith.constant 512 : index
    %swap3A_107 = vector.load %arg6[%swap3A_105, %swap3A_106] : memref<128x1536xf32, #tpu.memory_space<vmem>>, vector<128x128xf32>
    tpu.vector_store %arg6[%swap3A_105, %swap3A_106], %dot_general3A_104 {strides = array<i32>} : memref<128x1536xf32, #tpu.memory_space<vmem>>, vector<128x128xf32>,
    %slice3A_108 = vector.extract_strided_slice %div3A_75 {offsets = [0, 80], sizes = [128, 16], strides = [1, 1]} : vector<128x192xf32> to vector<128x16xf32>
    %dot_general3A_109 = arith.constant dense<0.000000e+00> : vector<128x128xf32>
    %dot_general3A_110 = tpu.matmul %slice3A_108, %transpose3A_79, %dot_general3A_109 {dimension_numbers = #tpu.dot_dimension_numbers<[1], [0], [0], [1], [0, 0, 1, 1], [], []>, precision = #tpu.contract_precision<fp32>, transpose_lhs_hint = false} : vector<128x16xf32>, vector<16x128xf32>, vector<128x128xf32> -> vector<128x128xf32>
    %swap3A_111 = arith.constant 0 : index
    %swap3A_112 = arith.constant 640 : index
    %swap3A_113 = vector.load %arg6[%swap3A_111, %swap3A_112] : memref<128x1536xf32, #tpu.memory_space<vmem>>, vector<128x128xf32>
    tpu.vector_store %arg6[%swap3A_111, %swap3A_112], %dot_general3A_110 {strides = array<i32>} : memref<128x1536xf32, #tpu.memory_space<vmem>>, vector<128x128xf32>,
    %slice3A_114 = vector.extract_strided_slice %div3A_75 {offsets = [0, 96], sizes = [128, 16], strides = [1, 1]} : vector<128x192xf32> to vector<128x16xf32>
    %dot_general3A_115 = arith.constant dense<0.000000e+00> : vector<128x128xf32>
    %dot_general3A_116 = tpu.matmul %slice3A_114, %transpose3A_79, %dot_general3A_115 {dimension_numbers = #tpu.dot_dimension_numbers<[1], [0], [0], [1], [0, 0, 1, 1], [], []>, precision = #tpu.contract_precision<fp32>, transpose_lhs_hint = false} : vector<128x16xf32>, vector<16x128xf32>, vector<128x128xf32> -> vector<128x128xf32>
    %swap3A_117 = arith.constant 0 : index
    %swap3A_118 = arith.constant 768 : index
    %swap3A_119 = vector.load %arg6[%swap3A_117, %swap3A_118] : memref<128x1536xf32, #tpu.memory_space<vmem>>, vector<128x128xf32>
    tpu.vector_store %arg6[%swap3A_117, %swap3A_118], %dot_general3A_116 {strides = array<i32>} : memref<128x1536xf32, #tpu.memory_space<vmem>>, vector<128x128xf32>,
    %slice3A_120 = vector.extract_strided_slice %div3A_75 {offsets = [0, 112], sizes = [128, 16], strides = [1, 1]} : vector<128x192xf32> to vector<128x16xf32>
    %dot_general3A_121 = arith.constant dense<0.000000e+00> : vector<128x128xf32>
    %dot_general3A_122 = tpu.matmul %slice3A_120, %transpose3A_79, %dot_general3A_121 {dimension_numbers = #tpu.dot_dimension_numbers<[1], [0], [0], [1], [0, 0, 1, 1], [], []>, precision = #tpu.contract_precision<fp32>, transpose_lhs_hint = false} : vector<128x16xf32>, vector<16x128xf32>, vector<128x128xf32> -> vector<128x128xf32>
    %swap3A_123 = arith.constant 0 : index
    %swap3A_124 = arith.constant 896 : index
    %swap3A_125 = vector.load %arg6[%swap3A_123, %swap3A_124] : memref<128x1536xf32, #tpu.memory_space<vmem>>, vector<128x128xf32>
    tpu.vector_store %arg6[%swap3A_123, %swap3A_124], %dot_general3A_122 {strides = array<i32>} : memref<128x1536xf32, #tpu.memory_space<vmem>>, vector<128x128xf32>,
    %slice3A_126 = vector.extract_strided_slice %div3A_75 {offsets = [0, 128], sizes = [128, 16], strides = [1, 1]} : vector<128x192xf32> to vector<128x16xf32>
    %dot_general3A_127 = arith.constant dense<0.000000e+00> : vector<128x128xf32>
    %dot_general3A_128 = tpu.matmul %slice3A_126, %transpose3A_79, %dot_general3A_127 {dimension_numbers = #tpu.dot_dimension_numbers<[1], [0], [0], [1], [0, 0, 1, 1], [], []>, precision = #tpu.contract_precision<fp32>, transpose_lhs_hint = false} : vector<128x16xf32>, vector<16x128xf32>, vector<128x128xf32> -> vector<128x128xf32>
    %swap3A_129 = arith.constant 0 : index
    %swap3A_130 = arith.constant 1024 : index
    %swap3A_131 = vector.load %arg6[%swap3A_129, %swap3A_130] : memref<128x1536xf32, #tpu.memory_space<vmem>>, vector<128x128xf32>
    tpu.vector_store %arg6[%swap3A_129, %swap3A_130], %dot_general3A_128 {strides = array<i32>} : memref<128x1536xf32, #tpu.memory_space<vmem>>, vector<128x128xf32>,
    %slice3A_132 = vector.extract_strided_slice %div3A_75 {offsets = [0, 144], sizes = [128, 16], strides = [1, 1]} : vector<128x192xf32> to vector<128x16xf32>
    %dot_general3A_133 = arith.constant dense<0.000000e+00> : vector<128x128xf32>
    %dot_general3A_134 = tpu.matmul %slice3A_132, %transpose3A_79, %dot_general3A_133 {dimension_numbers = #tpu.dot_dimension_numbers<[1], [0], [0], [1], [0, 0, 1, 1], [], []>, precision = #tpu.contract_precision<fp32>, transpose_lhs_hint = false} : vector<128x16xf32>, vector<16x128xf32>, vector<128x128xf32> -> vector<128x128xf32>
    %swap3A_135 = arith.constant 0 : index
    %swap3A_136 = arith.constant 1152 : index
    %swap3A_137 = vector.load %arg6[%swap3A_135, %swap3A_136] : memref<128x1536xf32, #tpu.memory_space<vmem>>, vector<128x128xf32>
    tpu.vector_store %arg6[%swap3A_135, %swap3A_136], %dot_general3A_134 {strides = array<i32>} : memref<128x1536xf32, #tpu.memory_space<vmem>>, vector<128x128xf32>,
    %slice3A_138 = vector.extract_strided_slice %div3A_75 {offsets = [0, 160], sizes = [128, 16], strides = [1, 1]} : vector<128x192xf32> to vector<128x16xf32>
    %dot_general3A_139 = arith.constant dense<0.000000e+00> : vector<128x128xf32>
    %dot_general3A_140 = tpu.matmul %slice3A_138, %transpose3A_79, %dot_general3A_139 {dimension_numbers = #tpu.dot_dimension_numbers<[1], [0], [0], [1], [0, 0, 1, 1], [], []>, precision = #tpu.contract_precision<fp32>, transpose_lhs_hint = false} : vector<128x16xf32>, vector<16x128xf32>, vector<128x128xf32> -> vector<128x128xf32>
    %swap3A_141 = arith.constant 0 : index
    %swap3A_142 = arith.constant 1280 : index
    %swap3A_143 = vector.load %arg6[%swap3A_141, %swap3A_142] : memref<128x1536xf32, #tpu.memory_space<vmem>>, vector<128x128xf32>
    tpu.vector_store %arg6[%swap3A_141, %swap3A_142], %dot_general3A_140 {strides = array<i32>} : memref<128x1536xf32, #tpu.memory_space<vmem>>, vector<128x128xf32>,
    %slice3A_144 = vector.extract_strided_slice %div3A_75 {offsets = [0, 176], sizes = [128, 16], strides = [1, 1]} : vector<128x192xf32> to vector<128x16xf32>
    %dot_general3A_145 = arith.constant dense<0.000000e+00> : vector<128x128xf32>
    %dot_general3A_146 = tpu.matmul %slice3A_144, %transpose3A_79, %dot_general3A_145 {dimension_numbers = #tpu.dot_dimension_numbers<[1], [0], [0], [1], [0, 0, 1, 1], [], []>, precision = #tpu.contract_precision<fp32>, transpose_lhs_hint = false} : vector<128x16xf32>, vector<16x128xf32>, vector<128x128xf32> -> vector<128x128xf32>
    %swap3A_147 = arith.constant 0 : index
    %swap3A_148 = arith.constant 1408 : index
    %swap3A_149 = vector.load %arg6[%swap3A_147, %swap3A_148] : memref<128x1536xf32, #tpu.memory_space<vmem>>, vector<128x128xf32>
    tpu.vector_store %arg6[%swap3A_147, %swap3A_148], %dot_general3A_146 {strides = array<i32>} : memref<128x1536xf32, #tpu.memory_space<vmem>>, vector<128x128xf32>,
    return
  }
}

</mosaic_0001>

<sc_bundles>
// kernel: kernel.4.cloned.1.call-start
scs
__scs_entry_jumppad:
0x0: {  	(pc) =	sbr.rel $0x88, $3  }
0x1: {  	(tag) =	ssettag $0x0;
	lr =	simm.s32 $0x1  }
0x2: {  	[smem:$0x3F9E] =	sst lr;
	_ =	strace $0xD0000000  }
0x3: {  	_ = 	snop  }
0x4: {  	_ = 	snop  }
0x5: {  	_ = 	snop  }
0x6: {  	_ = 	snop  }
0x7: {  	_ = 	snop  }
__scs_overlays_trampoline_lowered:
0x8: {  	[smem:$0x3FAD] =	sst s0  }
0x9: {  	[smem:$0x3FAE] =	sst s1  }
0xa: {  	[smem:$0x3FAF] =	sst s2  }
0xb: {  	[smem:$0x3FB0] =	sst s3  }
0xc: {  	[smem:$0x3FB1] =	sst s4  }
0xd: {  	[smem:$0x3FB2] =	sst s5  }
0xe: {  	[smem:$0x3FB3] =	sst s6  }
0xf: {  	[smem:$0x3FB4] =	sst s7  }
0x10: {  	[smem:$0x3FB5] =	sst s8  }
0x11: {  	[smem:$0x3FB6] =	sst s9;
	s0 =	simm.s32 @!p0 $0x0  }
0x12: {  	s1 =	sld [smem:$0x3F9C];
	s0 =	simm.s32 @p0 $0x1  }
0x13: {  	[smem:$0x3FB7] =	sst s0;
	s0 =	simm.s32 @!p1 $0x0  }
0x14: {  	s2 =	sld [smem:$0x3F9B];
	s0 =	simm.s32 @p1 $0x1  }
0x15: {  	[smem:$0x3FB8] =	sst s0;
	s0 =	simm.s32 @!p2 $0x0  }
0x16: {  	s3 =	sld [smem:$0x3FDB];
	s0 =	simm.s32 @p2 $0x1  }
0x17: {  	s4 =	simm.s32 $0x1BF5;
	[smem:$0x3FBA] =	sst s0  }
0x18: {  	s0 =	sld [smem:$0x3F9D];
	_ =	swait.ge [sflag:s4], $0x0  }
0x19: {  	s7 =	sld [smem:$0x3F9E]  }
0x1a: {  	s8 =	sadd.s32 $0xFFFFE003, lr  }
0x1b: {  	s9 =	sadd.s32 $0xFFFFFEF7, lr;
	s5 =	simm.s32 $0xFFFFFFFF;
	p2 =	slt.u32 s8, $0xFFFFF086  }
0x1c: {  	p1 =	slt.u32 s9, $0xF7A;
	s5 =	simm.s32 @!p2 $0x0  }
0x1d: {  	s5 =	simm.s32 @p1 $0x1;
	p0 =	seq.s32 s7, s2  }
0x1e: {  	s7 =	smul.u32 @!p0 $0xF7A, s2;
	p2 =	seq.s32 @!p0 s5, $0x0  }
0x1f: {  	s9 =	smul.u32 $0xF7A, s1;
	s8 =	simm.s32 @!p0 $0x1BF5;
	p2 =	por !p2, p0  }
0x20: {  	[sflag:s8] =	ssyncset.s32 @!p0 $0xFFFFF086;
	s6 =	sadd.s32 @!p0 s3, s7;
	s7 =	simm.s32 @!p0 $0x108  }
0x21: {  	s3 =	sadd.s32 s3, s9;
	s6 =	sadd.s32 @!p0 $0x88, s6;
	s7 =	simm.s32 @p2 $0x1082  }
0x22: {  	[simem:s7], [sflag:s8] =	dma.local @!p0 [hbm:s6], $0xF7A  }
0x23: {  	s9 =	sor.u32 $0xD0000000, s2;
	s6 =	simm.s32 $0x108;
	_ =	swait.ge @!p0 [sflag:s8], $0x0  }
0x24: {  	s3 =	sadd.s32 $0x88, s3;
	s6 =	simm.s32 @!p1 $0x1082;
	[sflag:s4] =	ssyncset.s32 $0xFFFFF086  }
0x25: {  	[simem:s6], [sflag:s4] =	dma.local [hbm:s3], $0xF7A  }
0x26: {  	[smem:$0x3F9E] =	sst s1;
	(tag) =	ssettag s2;
	_ =	strace s9  }
0x27: {  	s1 =	sld [smem:$0x3FAE]  }
0x28: {  	s2 =	sld [smem:$0x3FAF]  }
0x29: {  	s4 =	sld [smem:$0x3FB1]  }
0x2a: {  	p0 =	seq.s32 s5, $0x0;
	s5 =	sld [smem:$0x3FB2]  }
0x2b: {  	s6 =	sld [smem:$0x3FB3]  }
0x2c: {  	s7 =	sld [smem:$0x3FB4]  }
0x2d: {  	s3 =	simm.s32 $0x108;
	s8 =	sld [smem:$0x3FB5]  }
0x2e: {  	s3 =	simm.s32 @!p0 $0x1082;
	s9 =	sld [smem:$0x3FB6]  }
0x2f: {  	lr =	sadd.s32 s0, s3;
	s0 =	sld [smem:$0x3FAD]  }
0x30: {  	s3 =	sld [smem:$0x3FB0]  }
0x31: {  	[smem:$0x3FB9] =	sst s10  }
0x32: {  	s10 =	sld [smem:$0x3FB7];
	_ =	sdelay $0x3  }
0x33: {  	p0 =	seq.s32 s10, $0x1;
	s10 =	sld [smem:$0x3FB9];
	_ =	sdelay $0x3  }
0x34: {  	[smem:$0x3FB9] =	sst s10  }
0x35: {  	s10 =	sld [smem:$0x3FB8];
	_ =	sdelay $0x3  }
0x36: {  	p1 =	seq.s32 s10, $0x1;
	s10 =	sld [smem:$0x3FB9];
	_ =	sdelay $0x3  }
0x37: {  	[smem:$0x3FB9] =	sst s10  }
0x38: {  	s10 =	sld [smem:$0x3FBA]  }
0x39: {  	_ = 	snop;
	(pc) =	sbr.ind lr, $3  }
0x3a: {  	_ = 	snop  }
0x3b: {  	_ = 	snop  }
0x3c: {  	p2 =	seq.s32 s10, $0x1;
	s10 =	sld [smem:$0x3FB9]  }
0x3d: {  	_ =	shalt  }
0x3e: {  	_ =	shalt  }
0x3f: {  	_ =	shalt  }
0x40: {  	_ =	shalt  }
0x41: {  	_ =	shalt  }
0x42: {  	_ =	shalt  }
0x43: {  	_ =	shalt  }
0x44: {  	_ =	shalt  }
0x45: {  	_ =	shalt  }
0x46: {  	_ =	shalt  }
0x47: {  	_ =	shalt  }
0x48: {  	_ =	shalt  }
0x49: {  	_ =	shalt  }
0x4a: {  	_ =	shalt  }
0x4b: {  	_ =	shalt  }
0x4c: {  	_ =	shalt  }
0x4d: {  	_ =	shalt  }
0x4e: {  	_ =	shalt  }
0x4f: {  	_ =	shalt  }
0x50: {  	_ =	shalt  }
0x51: {  	_ =	shalt  }
0x52: {  	_ =	shalt  }
0x53: {  	_ =	shalt  }
0x54: {  	_ =	shalt  }
0x55: {  	_ =	shalt  }
0x56: {  	_ =	shalt  }
0x57: {  	_ =	shalt  }
0x58: {  	_ =	shalt  }
0x59: {  	_ =	shalt  }
0x5a: {  	_ =	shalt  }
0x5b: {  	_ =	shalt  }
0x5c: {  	_ =	shalt  }
0x5d: {  	_ =	shalt  }
0x5e: {  	_ =	shalt  }
0x5f: {  	_ =	shalt  }
0x60: {  	_ =	shalt  }
0x61: {  	_ =	shalt  }
0x62: {  	_ =	shalt  }
0x63: {  	_ =	shalt  }
0x64: {  	_ =	shalt  }
0x65: {  	_ =	shalt  }
0x66: {  	_ =	shalt  }
0x67: {  	_ =	shalt  }
0x68: {  	_ =	shalt  }
0x69: {  	_ =	shalt  }
0x6a: {  	_ =	shalt  }
0x6b: {  	_ =	shalt  }
0x6c: {  	_ =	shalt  }
0x6d: {  	_ =	shalt  }
0x6e: {  	_ =	shalt  }
0x6f: {  	_ =	shalt  }
0x70: {  	_ =	shalt  }
0x71: {  	_ =	shalt  }
0x72: {  	_ =	shalt  }
0x73: {  	_ =	shalt  }
0x74: {  	_ =	shalt  }
0x75: {  	_ =	shalt  }
0x76: {  	_ =	shalt  }
0x77: {  	_ =	shalt  }
0x78: {  	_ =	shalt  }
0x79: {  	_ =	shalt  }
0x7a: {  	_ =	shalt  }
0x7b: {  	_ =	shalt  }
0x7c: {  	_ =	shalt  }
0x7d: {  	_ =	shalt  }
0x7e: {  	_ =	shalt  }
0x7f: {  	_ =	shalt  }
0x80: {  	_ =	shalt  }
0x81: {  	_ =	shalt  }
0x82: {  	_ =	shalt  }
0x83: {  	_ =	shalt  }
0x84: {  	_ =	shalt  }
0x85: {  	_ =	shalt  }
0x86: {  	_ =	shalt  }
0x87: {  	_ =	shalt  }
.Lfunc_end0:
.L_simem_size_0:
called_computation_lowered:
.L_overlay_start_0:
0x88: {  	s2 =	sld [smem:$0x3FD9]  }
0x89: {  	s3 =	sld [smem:$0x3FFE];
	_ =	sdelay $0x1  }
0x8a: {  	s1 =	srdreg.scid  }
0x8b: {  	s0 =	sand.u32 $0x1, s1  }
0x8c: {  	s14 =	sshll.u32 s0, $0xA;
	s2 =	sadd.s32 s3, s2  }
0x8d: {  	s2 =	sadd.s32 s2, s14  }
0x8e: {  	[smem:$0x3FC5] =	sst s2  }
0x8f: {  	_ = 	snop  }
0x90: {  	s2 =	sld [smem:$0x3FD0];
	_ =	sdelay $0x2  }
0x91: {  	s15 =	simm.s32 $0xA;
	s4 =	simm.s32 $0x10  }
0x92: {  	[smem:s4], [sflag:s15] =	dma.local [hbm:s2], $0x1  }
0x93: {  	_ =	swait.eq [sflag:s15], $0x1  }
0x94: {  	s16 =	sld [smem:$0x10];
	[sflag:s15] =	ssyncset.done $0x0  }
0x95: {  	s17 =	sld [smem:$0x11];
	[sflag:s15] =	ssyncadd.s32 $0xFFFFFFFF  }
0x96: {  	s18 =	sld [smem:$0x12];
	(tm) =	ssettm $0x1  }
0x97: {  	s5 =	sld [smem:$0x3FFB];
	_ =	sdelay $0x3  }
0x98: {  	_ =	strace s5  }
0x99: {  	s5 =	sld [smem:$0x3FFC];
	_ =	sdelay $0x3  }
0x9a: {  	_ =	strace s5  }
0x9b: {  	s5 =	sld [smem:$0x3FFD];
	_ =	sdelay $0x3  }
0x9c: {  	_ =	strace s5  }
0x9d: {  	_ =	strace $0x8FFFFFFF  }
0x9e: {  	s19 =	sld [smem:$0x3FDB];
	_ =	sdelay $0x1  }
0x9f: {  	s6 =	simm.s32 $_scs_section_size  }
0xa0: {  	s7 =	simm.s32 $_size__tile_overlayer_lowered;
	s8 =	simm.s32 $_tile_overlayer_lowered  }
0xa1: {  	s22 =	simm.s32 $0x1BFF;
	s21 =	sshll.u32 s8, $0x1;
	s5 =	sadd.s32 s6, s19  }
0xa2: {  	s9 =	simm.s32 $0x0;
	s20 =	sshll.u32 s7, $0x1;
	s7 =	sadd.s32 s21, s5  }
0xa3: {  	[timem:s9], [sflag:s22] =	dma.local [hbm:s7], s20  }
0xa4: {  	_ =	swait.ge [sflag:s22], s20  }
0xa5: {  	s6 =	ssub.s32 $0x0, s20;
	[sflag:s22] =	ssyncset.done $0x0  }
0xa6: {  	[sflag:s22] =	ssyncadd.s32 s6;
	_ =	sdelay $0x1  }
0xa7: {  	s23 =	simm.s32 $0x1B8B  }
0xa8: {  	_ =	swait.ge [sflag:s23], $0x1  }
0xa9: {  	[sflag:s23] =	ssyncset.done $0x0  }
0xaa: {  	s25 =	simm.s32 $0x1B8E;
	s24 =	sld [smem:$0x3FFE];
	[sflag:s23] =	ssyncadd.s32 $0xFFFFFFFF  }
0xab: {  	s26 =	simm.s32 $execute0_lowered;
	[smem:$0x3FD2] =	sst s25  }
0xac: {  	s7 =	sshll.u32 s26, $0x1;
	_ =	strace $0x80000046;
	[dreg:$0x1] =	wrdreg $0xFFFFFFFF  }
0xad: {  	s28 =	simm.s32 $_size_execute0_lowered;
	s5 =	sadd.s32 s5, s7;
	[dreg:$0x0] =	wrdreg $0x0  }
0xae: {  	s7 =	sshll.u32 s28, $0x1;
	[dreg:$0x2] =	wrdreg s5  }
0xaf: {  	[dreg:$0x3] =	wrdreg s7  }
0xb0: {  	[dreg:$0x4] =	wrdreg $0xC0  }
0xb1: {  	_ =	task [dreg:s9], $0x5FFFF  }
0xb2: {  	[dreg:$0x1] =	wrdreg $0xFFFFFFFF  }
0xb3: {  	[dreg:$0x0] =	wrdreg $0x60  }
0xb4: {  	[dreg:$0x2] =	wrdreg s24  }
0xb5: {  	[dreg:$0x3] =	wrdreg s16  }
0xb6: {  	[dreg:$0x4] =	wrdreg s18  }
0xb7: {  	[dreg:$0x5] =	wrdreg s17  }
0xb8: {  	[dreg:$0x6] =	wrdreg $0x9  }
0xb9: {  	_ =	task.clear_ibuf [dreg:s9], $0x7FFFF;
	_ =	strace $0x90000046  }
0xba: {  	s29 =	simm.s32 $0x9;
	_ =	strace $0x80000048  }
0xbb: {  	_ =	swait.ge [sflag:s29], $0x1  }
0xbc: {  	[sflag:s29] =	ssyncadd.s32 $0xFFFFFFFF  }
0xbd: {  	_ =	strace $0x90000048  }
0xbe: {  	_ =	sfence  }
0xbf: {  	s30 =	sld [smem:$0x0];
	_ =	sdelay $0x2  }
0xc0: {  	s31 =	sshll.u32 s1, $0xD;
	s1 =	sshrl.u32 s1, $0x2  }
0xc1: {  	s3 =	sand.u32 $0x4000, s31;
	s1 =	sadd.s32 s1, s30  }
0xc2: {  	s0 =	sor.u32 s3, s0;
	s1 =	sshll.u32 s1, $0x11  }
0xc3: {  	s0 =	sor.u32 s1, s0  }
0xc4: {  	s0 =	sadd.s32 $0x8F2B, s0  }
0xc5: {  	[sflag:s0] =	ssyncadd.remote.s32 $0x1  }
0xc6: {  	_ =	sfence.sel $0xFFFF  }
0xc7: {  	[dreg:$0x0] =	wrdreg $0xFFFFFFFF;
	(pc) =	sbr.abs _section_cstart, $3  }
0xc8: {  	[dreg:$0x1] =	wrdreg $0xFFFFFFFF  }
0xc9: {  	_ =	task.clear_ibuf [dreg:s9], $0x2FFFF;
	_ =	strace $0x9FFFFFFF  }
0xca: {  	(tm) =	ssettm $0x7FFFFFFF  }
0xcb: {  	_ =	shalt  }
tec
execute0_lowered:
.L_overlay_start_1:
0x0: {  	(tag) =	ssettag $0x1  }
0x1: {  	s0 =	rddreg [dreg:$0x0]  }
0x2: {  	s2 =	rddreg [dreg:$0x2]  }
0x3: {  	s3 =	rddreg [dreg:$0x3]  }
0x4: {  	s4 =	simm.s32 $0x0;
	s1 =	srdreg.scid;
	s13 =	stileid.u32  }
0x5: {  	s15 =	simm.s32 $0x1;
	s16 =	simm.s32 $0x800;
	s17 =	simm.s32 $0x1000  }
0x6: {  	s18 =	simm.s32 $0x1800;
	s19 =	simm.s32 $0x1900;
	s20 =	simm.s32 $0x1A00  }
0x7: {  	s21 =	simm.s32 $0x1B00;
	s22 =	simm.s32 $0x1C00;
	s23 =	simm.s32 $0x1D00  }
0x8: {  	s24 =	simm.s32 $0x1E00;
	s25 =	simm.s32 $0x2680;
	s26 =	simm.s32 $0x2F00  }
0x9: {  	s28 =	simm.s32 $0x3780;
	s29 =	simm.s32 $0x4000;
	s30 =	simm.s32 $0x0  }
0xa: {  	[smem:$0x7FF] =	sst s4;
	s5 =	sadd.s32 $0x1E00, s0;
	s6 =	sadd.s32 $0x1C00, s0  }
.Ltmp0:
0xb: {  	s7 =	sadd.s32 $0x1A00, s0;
	s1 =	sand.u32 $0x1, s1;
	(pc) =	sbr.rel .LBB2_1-.Ltmp0, $4  }
0xc: {  	s9 =	sadd.s32 $0x2400, s0;
	s10 =	sadd.s32 $0x2200, s0;
	s8 =	ssub.s32 $0x2, s1  }
0xd: {  	s11 =	sadd.s32 $0x2000, s0;
	s13 =	sshll.u32 s13, $0x3;
	s12 =	sshrl.u32 s8, $0x1  }
0xe: {  	_ =	strace $0x80000047;
	s1 =	sshll.u32 s1, $0x2;
	s8 =	ssub.s32 s8, s12  }
0xf: {  	v61 =	vimm.s32 $0x0;
	s13 =	sor.u32 s1, s13;
	s12 =	sadd.s32 $0x2600, s0;
	s14 =	smax.u32 s8, $0x1  }
.LBB2_14:
0x10: {  	s30 =	sadd.s32 $0x1, s30  }
0x11: {  	p0 =	sne.s32 s30, s14  }
.Ltmp1:
0x12: {  	_ = 	snop;
	(pc) =	sbr.rel @!p0 .LBB2_15-.Ltmp1, $1  }
0x13: {  	_ =	sdelay $0x3  }
.LBB2_1:
0x14: {  	[tilespmem:s4], [sflag:$0x1] =	stream.linear.gather [hbm4b:s5+s4], $0x800, $0x38;
	[tilespmem:$0x4100] =	vst v63  }
0x15: {  	_ =	swait.ge [sflag:s15], $0x800  }
0x16: {  	[sflag:s15] =	ssyncset.done $0x0  }
0x17: {  	[sflag:s15] =	ssyncadd.s32 $0xFFFFF800  }
0x18: {  	[tilespmem:s16], [sflag:$0x1] =	stream.linear.gather [hbm4b:s6+s4], $0x800, $0x38;
	[tilespmem:$0x4100] =	vst v63  }
0x19: {  	_ =	swait.ge [sflag:s15], $0x800  }
0x1a: {  	[sflag:s15] =	ssyncset.done $0x0  }
0x1b: {  	[sflag:s15] =	ssyncadd.s32 $0xFFFFF800  }
0x1c: {  	[tilespmem:s17], [sflag:$0x1] =	stream.linear.gather [hbm4b:s7+s4], $0x800, $0x38;
	[tilespmem:$0x4100] =	vst v63  }
0x1d: {  	_ =	swait.ge [sflag:s15], $0x800  }
0x1e: {  	[sflag:s15] =	ssyncset.done $0x0  }
0x1f: {  	[sflag:s15] =	ssyncadd.s32 $0xFFFFF800  }
0x20: {  	[tilespmem:s18], [sflag:$0x1] =	stream.linear.gather [hbm4b:s9+s4], $0x80, $0x38;
	[tilespmem:$0x4100] =	vst v63  }
0x21: {  	_ =	swait.ge [sflag:s15], $0x80  }
0x22: {  	[sflag:s15] =	ssyncset.done $0x0  }
0x23: {  	[sflag:s15] =	ssyncadd.s32 $0xFFFFFF80  }
0x24: {  	[tilespmem:s19], [sflag:$0x1] =	stream.linear.gather [hbm4b:s10+s4], $0x80, $0x38;
	[tilespmem:$0x4100] =	vst v63  }
0x25: {  	_ =	swait.ge [sflag:s15], $0x80  }
0x26: {  	[sflag:s15] =	ssyncset.done $0x0  }
0x27: {  	[sflag:s15] =	ssyncadd.s32 $0xFFFFFF80  }
0x28: {  	[tilespmem:s20], [sflag:$0x1] =	stream.linear.gather [hbm4b:s11+s4], $0x80, $0x38;
	[tilespmem:$0x4100] =	vst v63  }
0x29: {  	_ =	swait.ge [sflag:s15], $0x80  }
0x2a: {  	[sflag:s15] =	ssyncset.done $0x0  }
0x2b: {  	[sflag:s15] =	ssyncadd.s32 $0xFFFFFF80  }
0x2c: {  	s0 =	rddreg [dreg:$0x1]  }
0x2d: {  	[tilespmem:s21], [sflag:$0x1] =	stream.linear.gather [hbm4b:s0+s4], $0x100, $0x38;
	[tilespmem:$0x4100] =	vst v63  }
0x2e: {  	_ =	swait.ge [sflag:s15], $0x100  }
0x2f: {  	[sflag:s15] =	ssyncset.done $0x0  }
0x30: {  	[sflag:s15] =	ssyncadd.s32 $0xFFFFFF00  }
0x31: {  	[tilespmem:s22], [sflag:$0x1] =	stream.linear.gather [hbm4b:s2+s4], $0x100, $0x38;
	[tilespmem:$0x4100] =	vst v63  }
0x32: {  	_ =	swait.ge [sflag:s15], $0x100  }
0x33: {  	[sflag:s15] =	ssyncset.done $0x0  }
.Ltmp2:
0x34: {  	[sflag:s15] =	ssyncadd.s32 $0xFFFFFF00;
	(pc) =	sbr.rel .LBB2_2-.Ltmp2, $4  }
0x35: {  	[tilespmem:s23], [sflag:$0x1] =	stream.linear.gather [hbm4b:s12+s4], $0x100, $0x38;
	[tilespmem:$0x4100] =	vst v63  }
0x36: {  	_ =	swait.ge [sflag:s15], $0x100  }
0x37: {  	[sflag:s15] =	ssyncset.done $0x0  }
0x38: {  	s31 =	simm.s32 $0x0;
	[sflag:s15] =	ssyncadd.s32 $0xFFFFFF00  }
.LBB2_5:
0x39: {  	v0 =	vimm.f32 $0.0e+00;
	v1 =	vimm.f32 $0.0e+00  }
0x3a: {  	v4 =	vimm.f32 $0.0e+00;
	v5 =	vimm.f32 $0.0e+00;
	v6 =	vimm.f32 $0.0e+00  }
0x3b: {  	v7 =	vimm.f32 $0.0e+00;
	v3 =	vimm.f32 $0.0e+00;
	v8 =	vimm.f32 $0.0e+00  }
0x3c: {  	v9 =	vimm.f32 $0.0e+00;
	v10 =	vimm.f32 $0.0e+00;
	v2 =	vimm.f32 $0.0e+00  }
.LBB2_13:
0x3d: {  	[tilespmem:$0x4000] =	vst v12  }
0x3e: {  	[tilespmem:$0x4010] =	vst v0  }
0x3f: {  	[tilespmem:$0x4020] =	vst v1  }
0x40: {  	[tilespmem:$0x4030] =	vst v4  }
0x41: {  	[tilespmem:$0x4040] =	vst v5  }
0x42: {  	[tilespmem:$0x4050] =	vst v6  }
0x43: {  	[tilespmem:$0x4060] =	vst v7  }
0x44: {  	[tilespmem:$0x4070] =	vst v3  }
0x45: {  	[tilespmem:$0x4080] =	vst v8  }
0x46: {  	[tilespmem:$0x4090] =	vst v9;
	s0 =	smul.u32 $0x18, s0;
	s31 =	sadd.s32 $0x1, s31  }
0x47: {  	[tilespmem:$0x40A0] =	vst v10;
	p0 =	sne.s32 s31, $0x4  }
.Ltmp3:
0x48: {  	[tilespmem:$0x40B0] =	vst v2;
	s0 =	sadd.s32 s3, s0;
	(pc) =	sbr.rel @!p0 .LBB2_14-.Ltmp3, $4  }
0x49: {  	[hbm4b:s0+s4] =	stream.linear.scatter [tilespmem:s29], [sflag:$0x1], $0xC0, $0x38;
	[tilespmem:$0x4100] =	vst v63  }
0x4a: {  	_ =	swait.ge [sflag:s15], $0xC0  }
0x4b: {  	[sflag:s15] =	ssyncset.done $0x0  }
0x4c: {  	[sflag:s15] =	ssyncadd.s32 $0xFFFFFF40  }
.LBB2_2:
0x4d: {  	s0 =	sadd.s32 s13, s31  }
0x4e: {  	v5 =	vld.msk [tilespmem:s0+$0x1800 ss:$0x0], $0xffff  }
0x4f: {  	s1 =	simm.s32 $0x0;
	v6 =	vld.msk [tilespmem:s0+$0x1900 ss:$0x0], $0xffff  }
0x50: {  	v0 =	vld [tilespmem:s1+$0x800]  }
0x51: {  	v3 =	vld [tilespmem:s1+$0x0]  }
0x52: {  	v7 =	vld.msk [tilespmem:s0+$0x1A00 ss:$0x0], $0xffff  }
0x53: {  	v4 =	vimm.s32 $0x0;
	v1 =	vimm.s32 $0x0;
	v2 =	vld [tilespmem:s1+$0x1000];
	s1 =	simm.s32 $0x40  }
.LBB2_3:
0x54: {  	p0 =	sne.s32 s1, $0x1FC0;
	_ =	sdelay $0x1  }
0x55: {  	v9 =	vsub.f32 v0, v6;
	v8 =	vsub.f32 v3, v5;
	_ =	sdelay $0x1  }
0x56: {  	v10 =	vsub.f32 v2, v7;
	v9 =	vmul.f32 v9, v9;
	v8 =	vmul.f32 v8, v8;
	_ =	sdelay $0x1  }
0x57: {  	v8 =	vadd.f32 v9, v8;
	v9 =	vmul.f32 v10, v10;
	_ =	sdelay $0x1  }
0x58: {  	v8 =	vadd.f32 v9, v8;
	_ =	sdelay $0x1  }
0x59: {  	vm0 =	vlt.f32 v8, $1.599999960e-01  }
0x5a: {  	v9 =	vsel vm0, $0x1, v61;
	v10 =	vmpcnt.ones.xlane vm0  }
0x5b: {  	(xrf0) =	vadd.scan.msk.s32 $0xffff, v9  }
0x5c: {  	v4 =	vadd.s32 v4, v10  }
0x5d: {  	v8 =	vmul.f32 $-5.000000000e+00, v8;
	_ =	sdelay $0x1  }
0x5e: {  	v9 =	vmul.f32 $1.442695020e+00, v8;
	_ =	sdelay $0x1  }
0x5f: {  	(erf) = vpow2.f32 v9;
	v8, _, _ =	vpop (xrf0)  }
0x60: {  	v8 =	vadd.s32 v8, v1;
	v1 =	vmov v4  }
0x61: {  	v8 =	vadd.s32 $0xFFFFFFFF, v8;
	_ =	sdelay $0x4  }
0x62: {  	[tilespmem:v8+s24+$0x0] =	vst.idx.msk vm0, v3  }
0x63: {  	[tilespmem:v8+s25+$0x0] =	vst.idx.msk vm0, v0  }
0x64: {  	[tilespmem:v8+s26+$0x0] =	vst.idx.msk vm0, v2;
	v0 =	vpop (erf)  }
.Ltmp4:
0x65: {  	s8 =	sshra.s32 s1, $0x2;
	[tilespmem:v8+s28+$0x0] =	vst.idx.msk vm0, v0;
	(pc) =	sbr.rel @p0 .LBB2_3-.Ltmp4, $4  }
0x66: {  	v0 =	vld [tilespmem:s8+$0x800]  }
0x67: {  	v3 =	vld [tilespmem:s8+$0x0]  }
0x68: {  	v2 =	vld [tilespmem:s8+$0x1000]  }
0x69: {  	s1 =	sadd.s32 $0x40, s1  }
0x6a: {  	_ =	sdelay $0x1  }
0x6b: {  	v6 =	vsub.f32 v0, v6;
	v5 =	vsub.f32 v3, v5;
	_ =	sdelay $0x1  }
0x6c: {  	v7 =	vsub.f32 v2, v7;
	v6 =	vmul.f32 v6, v6;
	v5 =	vmul.f32 v5, v5;
	_ =	sdelay $0x1  }
0x6d: {  	v57 =	vmul.f32 v7, v7;
	v5 =	vadd.f32 v6, v5;
	_ =	sdelay $0x1  }
0x6e: {  	v5 =	vadd.f32 v57, v5;
	_ =	sdelay $0x1  }
0x6f: {  	vm0 =	vlt.f32 v5, $1.599999960e-01  }
0x70: {  	v58 =	vmpcnt.ones.xlane vm0;
	_ =	sdelay $0x1  }
0x71: {  	v59 =	vsel vm0, $0x1, v61;
	v4 =	vadd.s32 v4, v58  }
0x72: {  	(xrf0) =	vadd.scan.msk.s32 $0xffff, v59;
	v4 =	vxor.u32 $0x80000000, v4  }
0x73: {  	(xrf0) =	vmax.scan.msk.u32 $0xffff, v4;
	_ =	sdelay $0x4  }
0x74: {  	v60, _, _ =	vpop (xrf0)  }
0x75: {  	v62, _, _ =	vpop (xrf0)  }
0x76: {  	(v2sf) =	vpush v62, $0xF;
	_ =	sdelay $0x7  }
0x77: {  	v5 =	vmul.f32 $-5.000000000e+00, v5;
	_ =	sdelay $0x1  }
0x78: {  	v5 =	vmul.f32 $1.442695020e+00, v5;
	_ =	sdelay $0x1  }
0x79: {  	(erf) = vpow2.f32 v5  }
0x7a: {  	v1 =	vadd.s32 v60, v1  }
0x7b: {  	v1 =	vadd.s32 $0xFFFFFFFF, v1  }
0x7c: {  	s1 =	spop (v2sf)  }
0x7d: {  	s8 =	sxor.u32 $0x80000000, s1  }
0x7e: {  	p0 =	slt.s32 s8, $0x1  }
.Ltmp5:
0x7f: {  	_ = 	snop;
	(pc) =	sbr.rel @p0 .LBB2_5-.Ltmp5, $4  }
0x80: {  	[tilespmem:v1+s24+$0x0] =	vst.idx.msk vm0, v3  }
0x81: {  	[tilespmem:v1+s25+$0x0] =	vst.idx.msk vm0, v0  }
0x82: {  	v63 =	vpop (erf);
	[tilespmem:v1+s26+$0x0] =	vst.idx.msk vm0, v2  }
0x83: {  	v12 =	vimm.f32 $0.0e+00;
	[tilespmem:v1+s28+$0x0] =	vst.idx.msk vm0, v63  }
0x84: {  	v3 =	vld [tilespmem:$0x1B00]  }
0x85: {  	v8 =	vld [tilespmem:$0x1C00]  }
0x86: {  	v11 =	vld [tilespmem:$0x1D00]  }
0x87: {  	v5 =	vld [tilespmem:$0x1B10]  }
0x88: {  	v9 =	vld [tilespmem:$0x1C10]  }
0x89: {  	v13 =	vld [tilespmem:$0x1D10]  }
0x8a: {  	v10 =	vld [tilespmem:$0x1B20]  }
0x8b: {  	v14 =	vld [tilespmem:$0x1C20]  }
0x8c: {  	v15 =	vld [tilespmem:$0x1D20]  }
0x8d: {  	v16 =	vld [tilespmem:$0x1B30]  }
0x8e: {  	v17 =	vld [tilespmem:$0x1C30]  }
0x8f: {  	v18 =	vld [tilespmem:$0x1D30]  }
0x90: {  	v19 =	vld [tilespmem:$0x1B40];
	s1 =	simm.s32 $0x0  }
0x91: {  	v21 =	vld [tilespmem:$0x1C40];
	v0 =	vmov s1  }
0x92: {  	v47 =	vld [tilespmem:$0x1D40]  }
0x93: {  	v22 =	vld [tilespmem:$0x1B50]  }
0x94: {  	v6 =	vld [tilespmem:$0x1BB0]  }
0x95: {  	v7 =	vld [tilespmem:$0x1CB0]  }
0x96: {  	v1 =	vld.idx.msk [tilespmem:v0+s24+$0x0], $0xffff  }
0x97: {  	v2 =	vld.idx.msk [tilespmem:v0+s25+$0x0], $0xffff  }
0x98: {  	v25 =	vld [tilespmem:$0x1C50];
	[tilespmem:$0x1FF00] =	vst v3  }
0x99: {  	v48 =	vld [tilespmem:$0x1D50];
	[tilespmem:$0x1FF10] =	vst v5  }
0x9a: {  	v26 =	vld [tilespmem:$0x1B60];
	[tilespmem:$0x1FF20] =	vst v6  }
0x9b: {  	v31 =	vld [tilespmem:$0x1B70];
	[tilespmem:$0x1FF30] =	vst v7;
	v3 =	vmul.f32 v1, v3;
	v5 =	vmul.f32 v1, v5  }
0x9c: {  	v42 =	vld [tilespmem:$0x1B80];
	[tilespmem:$0x1FF40] =	vst v8;
	v6 =	vmul.f32 v1, v6;
	v7 =	vmul.f32 v2, v7  }
0x9d: {  	[tilespmem:$0x1FF50] =	vst v9;
	v4 =	vld.idx.msk [tilespmem:v0+s26+$0x0], $0xffff;
	v8 =	vmul.f32 v2, v8;
	v9 =	vmul.f32 v2, v9  }
0x9e: {  	v20 =	vld [tilespmem:$0x1DB0];
	[tilespmem:$0x1FF60] =	vst v10;
	v10 =	vmul.f32 v1, v10;
	v34 =	vmul.f32 v2, v14  }
0x9f: {  	v27 =	vld [tilespmem:$0x1C60];
	[tilespmem:$0x1FF80] =	vst v14;
	v35 =	vmul.f32 v2, v17;
	v36 =	vmul.f32 v1, v19  }
0xa0: {  	v41 =	vld [tilespmem:$0x1C70];
	[tilespmem:$0x1FFA0] =	vst v17;
	v37 =	vmul.f32 v2, v25;
	v38 =	vmul.f32 v1, v26  }
0xa1: {  	[tilespmem:$0x1FFB0] =	vst v19;
	v14 =	vld [tilespmem:$0x1C80];
	v39 =	vmul.f32 v1, v31;
	v52 =	vmul.f32 v1, v42  }
0xa2: {  	[tilespmem:$0x1FFF0] =	vst v26;
	v17 =	vld [tilespmem:$0x1C90];
	v54 =	vmul.f32 v4, v13;
	v55 =	vmul.f32 v4, v18  }
0xa3: {  	v19 =	vld [tilespmem:$0x1BA0];
	v26 =	vmovc v47;
	v47 =	vmul.f32 v4, v47;
	v6 =	vadd.f32 v7, v6;
	v7 =	vmul.f32 v4, v20  }
0xa4: {  	[tilespmem:$0x1FF90] =	vst v16;
	v8 =	vadd.f32 v8, v3;
	v3 =	vmul.f32 v1, v16;
	v16 =	vld [tilespmem:$0x1B90];
	v5 =	vadd.f32 v9, v5  }
0xa5: {  	[tilespmem:$0x1FFC0] =	vst v21;
	v9 =	vmul.f32 v1, v22;
	v6 =	vadd.f32 v7, v6;
	v7 =	vmul.f32 v2, v21;
	v21 =	vld [tilespmem:$0x1CA0]  }
0xa6: {  	v10 =	vadd.f32 v34, v10;
	v40 =	vadd.f32 v35, v3;
	v3 =	vmul.f32 v2, v27;
	v35 =	vld [tilespmem:$0x1D60]  }
0xa7: {  	v9 =	vadd.f32 v37, v9;
	v37 =	vld [tilespmem:$0x1D80];
	v5 =	vadd.f32 v54, v5;
	v6 =	vmul.f32 $1.442695020e+00, v6  }
0xa8: {  	v53 =	vmul.f32 v2, v14;
	v45 =	vmul.f32 v2, v17;
	v7 =	vadd.f32 v7, v36;
	v36 =	vld [tilespmem:$0x1D70]  }
0xa9: {  	v43 =	vadd.f32 v3, v38;
	v38 =	vld [tilespmem:$0x1D90];
	(erf) = vpow2.f32 v6;
	v6 =	vmul.f32 v2, v41  }
0xaa: {  	v3 =	vld.idx.msk [tilespmem:v0+s28+$0x0], $0xffff;
	v0 =	vmul.f32 v4, v15;
	v40 =	vadd.f32 v55, v40;
	v44 =	vmul.f32 v1, v16  }
0xab: {  	v32 =	vmovc v41;
	v1 =	vmul.f32 v1, v19;
	v41 =	vadd.f32 v53, v52;
	v46 =	vadd.f32 v6, v39;
	v39 =	vld [tilespmem:$0x1DA0]  }
0xac: {  	v0 =	vadd.f32 v0, v10;
	v7 =	vadd.f32 v47, v7;
	v2 =	vmul.f32 v2, v21  }
0xad: {  	v44 =	vadd.f32 v45, v44;
	v56 =	vmul.f32 v4, v35;
	v6 =	vmul.f32 v4, v11  }
0xae: {  	v49 =	vmul.f32 v4, v37;
	v1 =	vadd.f32 v2, v1;
	v10 =	vmul.f32 v4, v38  }
0xaf: {  	v57 =	vmul.f32 v4, v36;
	v43 =	vadd.f32 v56, v43;
	v2 =	vadd.f32 v6, v8  }
0xb0: {  	v8 =	vmul.f32 v4, v48;
	v44 =	vadd.f32 v10, v44;
	v4 =	vmul.f32 v4, v39  }
0xb1: {  	p1 =	sne.s32 s8, $0x1;
	v7 =	vmul.f32 $1.442695020e+00, v7;
	v41 =	vadd.f32 v49, v41;
	v10 =	vmul.f32 $1.442695020e+00, v40  }
.Ltmp6:
0xb2: {  	v63 =	vmul.f32 $1.442695020e+00, v44;
	v6 =	vpop (erf);
	v59 =	vadd.f32 v4, v1;
	v4 =	vmul.f32 $1.442695020e+00, v43;
	(pc) =	sbr.rel @!p1 .LBB2_7-.Ltmp6, $4  }
0xb3: {  	v24 =	vmovc v42;
	v42 =	vadd.f32 v57, v46;
	v1 =	vmul.f32 $1.442695020e+00, v41;
	v58 =	vmul.f32 v6, v3  }
0xb4: {  	[tilespmem:$0x1FF70] =	vst v20;
	v6 =	vmul.f32 $1.442695020e+00, v2;
	v2 =	vadd.f32 v8, v9;
	v8 =	vmul.f32 $1.442695020e+00, v5  }
0xb5: {  	[tilespmem:$0x1FFD0] =	vst v22;
	v9 =	vmul.f32 $1.442695020e+00, v0;
	v0 =	vmul.f32 $1.442695020e+00, v42  }
0xb6: {  	p0 =	por $0x0, $0x0;
	s1 =	simm.s32 $0x1;
	[tilespmem:$0x1FFE0] =	vst v25;
	v29 =	vmovc v31;
	v31 =	vmovc v48;
	v62 =	vmul.f32 $1.442695020e+00, v59;
	v5 =	vmul.f32 $1.442695020e+00, v2;
	v2 =	vadd.f32 v58, v12  }
0xb7: {  	(erf) = vpow2.f32 v6  }
0xb8: {  	v6 =	vmov s1;
	(erf) = vpow2.f32 v8  }
0xb9: {  	(erf) = vpow2.f32 v9  }
0xba: {  	(erf) = vpow2.f32 v10  }
0xbb: {  	(erf) = vpow2.f32 v7  }
0xbc: {  	v22 =	vmov v11;
	v11 =	vld [tilespmem:$0x1FF40];
	(erf) = vpow2.f32 v5  }
0xbd: {  	(erf) = vpow2.f32 v4;
	v4 =	vld.idx.msk [tilespmem:v6+s25+$0x0], $0xffff;
	_ =	sdelay $0x3  }
0xbe: {  	v7 =	vld.idx.msk [tilespmem:v6+s24+$0x0], $0xffff  }
0xbf: {  	v41 =	vmul.f32 v4, v11;
	v11 =	vld [tilespmem:$0x1FF60];
	_ =	sdelay $0x4  }
0xc0: {  	v42 =	vmul.f32 v7, v11;
	v11 =	vld [tilespmem:$0x1FF80];
	_ =	sdelay $0x4  }
0xc1: {  	v43 =	vmul.f32 v4, v11;
	v11 =	vld [tilespmem:$0x1FF90]  }
0xc2: {  	v9 =	vld [tilespmem:$0x1FF20]  }
0xc3: {  	v10 =	vld [tilespmem:$0x1FF30];
	_ =	sdelay $0x2  }
0xc4: {  	v44 =	vmul.f32 v7, v11;
	v11 =	vld [tilespmem:$0x1FFA0]  }
0xc5: {  	v5 =	vld [tilespmem:$0x1FF00];
	(erf) = vpow2.f32 v0  }
0xc6: {  	v8 =	vld [tilespmem:$0x1FF10];
	v9 =	vmul.f32 v7, v9;
	v10 =	vmul.f32 v4, v10  }
0xc7: {  	(erf) = vpow2.f32 v1;
	v1 =	vld.idx.msk [tilespmem:v6+s26+$0x0], $0xffff  }
0xc8: {  	v0 =	vpop (erf);
	(erf) = vpow2.f32 v63;
	v9 =	vadd.f32 v10, v9;
	v10 =	vld [tilespmem:$0x1FF70]  }
0xc9: {  	v0 =	vmul.f32 v0, v3;
	v45 =	vmul.f32 v4, v11;
	v11 =	vld [tilespmem:$0x1FFB0]  }
0xca: {  	(erf) = vpow2.f32 v62;
	v5 =	vmul.f32 v7, v5  }
0xcb: {  	v28 =	vmovc v27;
	v8 =	vmul.f32 v7, v8;
	v49 =	vmul.f32 v7, v29;
	v40 =	vadd.f32 v0, v12;
	v0 =	vld [tilespmem:$0x1FF50]  }
0xcc: {  	v62 =	vmul.f32 v7, v24;
	v61 =	vmul.f32 v4, v28  }
0xcd: {  	v63 =	vmul.f32 v4, v14;
	v10 =	vmul.f32 v1, v10  }
0xce: {  	v50 =	vmul.f32 v4, v17;
	v46 =	vmul.f32 v7, v11;
	v11 =	vld [tilespmem:$0x1FFE0]  }
0xcf: {  	v33 =	vmovc v14;
	v12 =	vmul.f32 v7, v16;
	v14 =	vmul.f32 v1, v22;
	v9 =	vadd.f32 v10, v9;
	v10 =	vld [tilespmem:$0x1FFC0]  }
0xd0: {  	v30 =	vmov v16;
	v16 =	vmul.f32 v1, v13;
	v0 =	vmul.f32 v4, v0  }
0xd1: {  	v20 =	vmovc v17;
	v5 =	vadd.f32 v41, v5;
	v17 =	vmul.f32 v1, v18;
	v56 =	vmul.f32 v1, v26  }
0xd2: {  	v25 =	vmovc v13;
	v13 =	vmul.f32 v1, v36;
	v57 =	vmul.f32 v1, v37;
	v0 =	vadd.f32 v0, v8;
	v8 =	vld [tilespmem:$0x1FFD0]  }
0xd3: {  	v5 =	vadd.f32 v14, v5;
	v9 =	vmul.f32 $1.442695020e+00, v9;
	v47 =	vmul.f32 v4, v11;
	v11 =	vld [tilespmem:$0x1FFF0]  }
0xd4: {  	v0 =	vadd.f32 v16, v0;
	v43 =	vadd.f32 v43, v42;
	v10 =	vmul.f32 v4, v10  }
0xd5: {  	v41 =	vpop (erf);
	(erf) = vpow2.f32 v9;
	v9 =	vmul.f32 v4, v32;
	v44 =	vadd.f32 v45, v44  }
0xd6: {  	v23 =	vmovc v21;
	v14 =	vmul.f32 v1, v38;
	v10 =	vadd.f32 v10, v46;
	v46 =	vadd.f32 v63, v62  }
0xd7: {  	v27 =	vmovc v15;
	v8 =	vmul.f32 v7, v8;
	v9 =	vadd.f32 v9, v49;
	v44 =	vadd.f32 v17, v44  }
0xd8: {  	v42 =	vpop (erf);
	v17 =	vadd.f32 v57, v46;
	v46 =	vimm.f32 $0.0e+00;
	v48 =	vmul.f32 v7, v11  }
0xd9: {  	v51 =	vpop (erf);
	v4 =	vmul.f32 v4, v23;
	v8 =	vadd.f32 v47, v8;
	v7 =	vmul.f32 v7, v19  }
0xda: {  	v52 =	vpop (erf);
	v47 =	vimm.f32 $0.0e+00;
	v45 =	vadd.f32 v61, v48;
	v61 =	vld.idx.msk [tilespmem:v6+s28+$0x0], $0xffff;
	v6 =	vmul.f32 v1, v15  }
0xdb: {  	v53 =	vpop (erf);
	v48 =	vadd.f32 v50, v12;
	v4 =	vadd.f32 v4, v7;
	v7 =	vmul.f32 v1, v31  }
0xdc: {  	v54 =	vpop (erf);
	v12 =	vmul.f32 v1, v35;
	v1 =	vmul.f32 v1, v39;
	v15 =	vadd.f32 v56, v10  }
0xdd: {  	v55 =	vpop (erf);
	v10 =	vmul.f32 $1.442695020e+00, v44;
	v44 =	vimm.f32 $0.0e+00;
	v50 =	vimm.f32 $0.0e+00  }
0xde: {  	v58 =	vpop (erf);
	v56 =	vimm.f32 $0.0e+00;
	v45 =	vadd.f32 v12, v45;
	v49 =	vadd.f32 v14, v48  }
0xdf: {  	v59 =	vpop (erf);
	v43 =	vadd.f32 v6, v43;
	v57 =	vadd.f32 v1, v4;
	v1 =	vmul.f32 $1.442695020e+00, v17  }
0xe0: {  	p1 =	sne.s32 s8, $0x2;
	v60 =	vpop (erf);
	v48 =	vimm.f32 $0.0e+00;
	v4 =	vmul.f32 $1.442695020e+00, v45;
	v63 =	vmul.f32 $1.442695020e+00, v49  }
.Ltmp7:
0xe1: {  	v6 =	vpop (erf);
	v62 =	vmul.f32 $1.442695020e+00, v57;
	v45 =	vimm.f32 $0.0e+00;
	v49 =	vimm.f32 $0.0e+00;
	(pc) =	sbr.rel @!p1 .LBB2_9-.Ltmp7, $4  }
0xe2: {  	v57 =	vimm.f32 $0.0e+00;
	v16 =	vmul.f32 v6, v61;
	v6 =	vmul.f32 $1.442695020e+00, v5  }
0xe3: {  	v5 =	vadd.f32 v7, v8;
	v8 =	vmul.f32 $1.442695020e+00, v0;
	v0 =	vadd.f32 v13, v9  }
0xe4: {  	v9 =	vmul.f32 $1.442695020e+00, v43;
	v7 =	vmul.f32 $1.442695020e+00, v15;
	v43 =	vimm.f32 $0.0e+00  }
0xe5: {  	v34 =	vmovc v19;
	v21 =	vmovc v18;
	s1 =	simm.s32 $0x2;
	p0 =	por $0x1, $0x1;
	v5 =	vmul.f32 $1.442695020e+00, v5;
	v2 =	vadd.f32 v16, v2;
	v0 =	vmul.f32 $1.442695020e+00, v0  }
.LBB2_10:
0xe6: {  	(erf) = vpow2.f32 v6  }
0xe7: {  	(erf) = vpow2.f32 v8  }
0xe8: {  	v6 =	vmul.f32 v41, v3;
	(erf) = vpow2.f32 v9  }
0xe9: {  	v11 =	vmov s1;
	v8 =	vmul.f32 v42, v3;
	(erf) = vpow2.f32 v10  }
0xea: {  	v43 =	vadd.f32 v6, v43;
	v6 =	vmul.f32 v51, v3;
	(erf) = vpow2.f32 v7  }
0xeb: {  	v12 =	vld [tilespmem:$0x1FF60];
	v44 =	vadd.f32 v8, v44;
	v8 =	vmul.f32 v52, v3;
	(erf) = vpow2.f32 v5  }
0xec: {  	v16 =	vld [tilespmem:$0x1FFA0];
	v45 =	vadd.f32 v6, v45;
	v6 =	vmul.f32 v53, v3;
	(erf) = vpow2.f32 v4  }
0xed: {  	v13 =	vld [tilespmem:$0x1FFF0];
	v46 =	vadd.f32 v8, v46;
	(erf) = vpow2.f32 v0;
	v0 =	vmul.f32 v58, v3  }
0xee: {  	v7 =	vld.idx.msk [tilespmem:v11+s24+$0x0], $0xffff;
	v5 =	vmul.f32 v54, v3;
	v48 =	vadd.f32 v6, v48;
	v6 =	vmul.f32 v55, v3  }
0xef: {  	v8 =	vld.idx.msk [tilespmem:v11+s25+$0x0], $0xffff;
	(erf) = vpow2.f32 v1;
	v4 =	vpop (erf);
	v50 =	vadd.f32 v0, v50;
	v0 =	vmul.f32 v60, v3  }
0xf0: {  	v47 =	vadd.f32 v6, v47;
	v1 =	vmul.f32 v59, v3;
	v6 =	vld [tilespmem:$0x1FF30];
	v3 =	vmul.f32 v4, v61  }
0xf1: {  	v57 =	vadd.f32 v0, v57;
	v0 =	vld [tilespmem:$0x1FF20]  }
0xf2: {  	v40 =	vadd.f32 v3, v40;
	v3 =	vld [tilespmem:$0x1FF40]  }
0xf3: {  	v49 =	vadd.f32 v5, v49;
	v5 =	vld.idx.msk [tilespmem:v11+s26+$0x0], $0xffff  }
0xf4: {  	v56 =	vadd.f32 v1, v56;
	v1 =	vld [tilespmem:$0x1FF00]  }
0xf5: {  	(erf) = vpow2.f32 v63;
	v63 =	vld [tilespmem:$0x1FF90]  }
0xf6: {  	v4 =	vld [tilespmem:$0x1FF10];
	v6 =	vmul.f32 v8, v6;
	v0 =	vmul.f32 v7, v0  }
0xf7: {  	v9 =	vmul.f32 v8, v3;
	v3 =	vld [tilespmem:$0x1FF50]  }
0xf8: {  	v41 =	vpop (erf);
	(erf) = vpow2.f32 v62;
	v0 =	vadd.f32 v6, v0;
	v6 =	vld [tilespmem:$0x1FF70]  }
0xf9: {  	v59 =	vmul.f32 v7, v12;
	v62 =	vld [tilespmem:$0x1FFB0];
	v1 =	vmul.f32 v7, v1  }
0xfa: {  	v17 =	vmul.f32 v8, v16;
	v16 =	vmul.f32 v7, v13  }
0xfb: {  	v14 =	vmul.f32 v8, v33;
	v60 =	vmul.f32 v7, v63;
	v1 =	vadd.f32 v9, v1;
	v9 =	vld [tilespmem:$0x1FF80]  }
0xfc: {  	v63 =	vld [tilespmem:$0x1FFE0];
	v4 =	vmul.f32 v7, v4;
	v10 =	vmul.f32 v8, v3  }
0xfd: {  	v42 =	vpop (erf);
	v12 =	vadd.f32 v17, v60;
	v17 =	vmul.f32 v8, v28;
	v6 =	vmul.f32 v5, v6  }
0xfe: {  	v15 =	vmul.f32 v7, v30;
	v51 =	vpop (erf);
	v62 =	vmul.f32 v7, v62;
	v4 =	vadd.f32 v10, v4;
	v10 =	vld [tilespmem:$0x1FFD0]  }
0xff: {  	v52 =	vpop (erf);
	v13 =	vadd.f32 v17, v16;
	v16 =	vmul.f32 v5, v27;
	v0 =	vadd.f32 v6, v0;
	v6 =	vld [tilespmem:$0x1FFC0]  }
0x100: {  	v53 =	vpop (erf);
	v3 =	vmov v61;
	v61 =	vld.idx.msk [tilespmem:v11+s28+$0x0], $0xffff;
	v11 =	vmul.f32 v5, v22;
	v9 =	vmul.f32 v8, v9  }
0x101: {  	v54 =	vpop (erf);
	v17 =	vmul.f32 v5, v26;
	v63 =	vmul.f32 v8, v63  }
0x102: {  	v55 =	vpop (erf);
	v1 =	vadd.f32 v11, v1;
	v11 =	vmul.f32 v5, v36;
	v9 =	vadd.f32 v9, v59  }
0x103: {  	v58 =	vpop (erf);
	v0 =	vmul.f32 $1.442695020e+00, v0;
	v10 =	vmul.f32 v7, v10  }
0x104: {  	v59 =	vpop (erf);
	v9 =	vadd.f32 v16, v9;
	v16 =	vmul.f32 v5, v38;
	v6 =	vmul.f32 v8, v6  }
0x105: {  	v60 =	vpop (erf);
	(erf) = vpow2.f32 v0;
	v0 =	vadd.f32 v63, v10;
	v63 =	vmul.f32 v7, v24  }
0x106: {  	v10 =	vmul.f32 v8, v32;
	v6 =	vadd.f32 v6, v62;
	v62 =	vmul.f32 v7, v29  }
0x107: {  	v9 =	vmul.f32 $1.442695020e+00, v9;
	v7 =	vmul.f32 v7, v34;
	v14 =	vadd.f32 v14, v63  }
0x108: {  	v63 =	vmul.f32 v5, v25;
	v10 =	vadd.f32 v10, v62;
	v62 =	vmul.f32 v8, v20  }
0x109: {  	v8 =	vmul.f32 v8, v23;
	v17 =	vadd.f32 v17, v6;
	v6 =	vmul.f32 $1.442695020e+00, v1  }
0x10a: {  	v4 =	vadd.f32 v63, v4;
	v63 =	vmul.f32 v5, v37;
	v15 =	vadd.f32 v62, v15  }
0x10b: {  	v62 =	vmul.f32 v5, v21;
	v18 =	vadd.f32 v8, v7;
	v7 =	vmul.f32 v5, v31  }
0x10c: {  	s1 =	sadd.s32 $0x1, s1;
	v8 =	vmul.f32 v5, v35;
	v11 =	vadd.f32 v11, v10;
	v63 =	vadd.f32 v63, v14  }
0x10d: {  	p1 =	sne.s32 s8, s1;
	v5 =	vmul.f32 v5, v39;
	v12 =	vadd.f32 v62, v12;
	v0 =	vadd.f32 v7, v0  }
.Ltmp8:
0x10e: {  	v19 =	vpop (erf);
	v1 =	vadd.f32 v8, v13;
	v8 =	vmul.f32 $1.442695020e+00, v4;
	v7 =	vmul.f32 $1.442695020e+00, v17;
	(pc) =	sbr.rel @p1 .LBB2_10-.Ltmp8, $4  }
0x10f: {  	v16 =	vadd.f32 v16, v15;
	v19 =	vmul.f32 v19, v61;
	v10 =	vmul.f32 $1.442695020e+00, v12  }
0x110: {  	v17 =	vadd.f32 v5, v18;
	v5 =	vmul.f32 $1.442695020e+00, v0;
	v4 =	vmul.f32 $1.442695020e+00, v1  }
0x111: {  	v0 =	vmul.f32 $1.442695020e+00, v11;
	v1 =	vmul.f32 $1.442695020e+00, v63  }
0x112: {  	v63 =	vmul.f32 $1.442695020e+00, v16;
	v62 =	vmul.f32 $1.442695020e+00, v17;
	v2 =	vadd.f32 v19, v2  }
0x113: {  	v11 =	vmov v3;
	v3 =	vmov v61;
	v61 =	vimm.s32 $0x0  }
.LBB2_12:
0x114: {  	(erf) = vpow2.f32 v6  }
0x115: {  	v6 =	vmul.f32 @p0 v41, v11;
	(erf) = vpow2.f32 v8  }
0x116: {  	v8 =	vmul.f32 @p0 v42, v11;
	(erf) = vpow2.f32 v9  }
0x117: {  	v22 =	vimm.f32 $0.0e+00;
	v9 =	vmul.f32 @p0 v51, v11;
	(erf) = vpow2.f32 v10  }
0x118: {  	v6 =	vadd.f32 @p0 v6, v43;
	v10 =	vmul.f32 @p0 v52, v11;
	(erf) = vpow2.f32 v7  }
0x119: {  	v8 =	vadd.f32 @p0 v8, v44;
	v7 =	vmul.f32 @p0 v53, v11;
	(erf) = vpow2.f32 v5  }
0x11a: {  	v9 =	vadd.f32 @p0 v9, v45;
	v6 =	vpsel p0, v6, v22;
	(erf) = vpow2.f32 v4  }
0x11b: {  	v5 =	vmul.f32 @p0 v54, v11;
	v10 =	vadd.f32 @p0 v10, v46;
	(erf) = vpow2.f32 v0  }
0x11c: {  	v8 =	vpsel p0, v8, v22;
	v4 =	vmul.f32 @p0 v55, v11;
	(erf) = vpow2.f32 v1  }
0x11d: {  	v7 =	vadd.f32 @p0 v7, v48;
	v9 =	vpsel p0, v9, v22;
	v12 =	vpop (erf);
	(erf) = vpow2.f32 v63  }
0x11e: {  	v0 =	vmul.f32 @p0 v58, v11;
	v5 =	vadd.f32 @p0 v5, v49;
	v13 =	vpop (erf);
	(erf) = vpow2.f32 v62  }
0x11f: {  	v10 =	vpsel p0, v10, v22;
	v1 =	vmul.f32 @p0 v59, v11;
	v11 =	vmul.f32 @p0 v60, v11;
	v14 =	vpop (erf)  }
0x120: {  	v4 =	vadd.f32 @p0 v4, v47;
	v7 =	vpsel p0, v7, v22;
	v0 =	vadd.f32 @p0 v0, v50;
	v15 =	vpop (erf)  }
0x121: {  	v18 =	vpsel p0, v5, v22;
	v12 =	vmul.f32 v12, v3;
	v1 =	vadd.f32 @p0 v1, v56;
	v16 =	vpop (erf)  }
0x122: {  	v11 =	vadd.f32 @p0 v11, v57;
	v19 =	vpsel p0, v4, v22;
	v21 =	vpsel p0, v0, v22;
	v17 =	vpop (erf)  }
0x123: {  	v0 =	vmul.f32 v13, v3;
	v12 =	vadd.f32 v12, v40;
	v4 =	vmul.f32 v14, v3;
	v20 =	vpop (erf)  }
0x124: {  	v14 =	vpsel p0, v1, v22;
	v5 =	vmul.f32 v15, v3;
	v15 =	vmul.f32 v16, v3;
	v13 =	vpop (erf)  }
0x125: {  	v0 =	vadd.f32 v0, v6;
	v1 =	vadd.f32 v4, v8;
	v6 =	vmul.f32 v17, v3;
	v63 =	vpop (erf)  }
.Ltmp9:
0x126: {  	v4 =	vadd.f32 v5, v9;
	v5 =	vadd.f32 v15, v10;
	v9 =	vmul.f32 v20, v3;
	v8 =	vpop (erf);
	(pc) =	sbr.rel .LBB2_13-.Ltmp9, $4  }
0x127: {  	v6 =	vadd.f32 v6, v7;
	v13 =	vmul.f32 v13, v3;
	v15 =	vmul.f32 v63, v3;
	v10 =	vpop (erf)  }
0x128: {  	v7 =	vadd.f32 v9, v18;
	v9 =	vmul.f32 v8, v3;
	v10 =	vmul.f32 v10, v3  }
0x129: {  	v11 =	vpsel p0, v11, v22;
	v3 =	vadd.f32 v13, v19;
	v8 =	vadd.f32 v15, v21  }
0x12a: {  	v9 =	vadd.f32 v9, v14;
	v10 =	vadd.f32 v10, v11  }
.LBB2_7:
.Ltmp10:
0x12b: {  	(pc) =	sbr.rel .LBB2_12-.Ltmp10, $4  }
0x12c: {  	v43 =	vimm.f32 $0.0e+00;
	v44 =	vimm.f32 $0.0e+00  }
0x12d: {  	v45 =	vimm.f32 $0.0e+00;
	v46 =	vimm.f32 $0.0e+00;
	v48 =	vimm.f32 $0.0e+00  }
0x12e: {  	v49 =	vimm.f32 $0.0e+00;
	v47 =	vimm.f32 $0.0e+00;
	v50 =	vimm.f32 $0.0e+00  }
0x12f: {  	v56 =	vimm.f32 $0.0e+00;
	v57 =	vimm.f32 $0.0e+00;
	v40 =	vimm.f32 $0.0e+00  }
.LBB2_9:
.Ltmp11:
0x130: {  	(pc) =	sbr.rel .LBB2_12-.Ltmp11, $4  }
0x131: {  	v43 =	vimm.f32 $0.0e+00;
	v44 =	vimm.f32 $0.0e+00  }
0x132: {  	v45 =	vimm.f32 $0.0e+00;
	v46 =	vimm.f32 $0.0e+00;
	v48 =	vimm.f32 $0.0e+00  }
0x133: {  	v49 =	vimm.f32 $0.0e+00;
	v47 =	vimm.f32 $0.0e+00;
	v50 =	vimm.f32 $0.0e+00  }
0x134: {  	v11 =	vmovc v3;
	v3 =	vmovc v61;
	v56 =	vimm.f32 $0.0e+00;
	v57 =	vimm.f32 $0.0e+00;
	v61 =	vimm.s32 $0x0  }
.LBB2_15:
0x135: {  	_ =	sfence.sel $0x180000  }
0x136: {  	[bflag:$0x0] =	sbarrier.arrive $0xFFFF  }
0x137: {  	_ =	strace $0x90000047  }
0x138: {  	s0 =	stileid.u32;
	[bflag:$0x2] =	sbarrier.arrive $0xFFFF  }
0x139: {  	p0 =	sne.s32 s0, $0x0;
	s0 =	rddreg [dreg:$0x4]  }
0x13a: {  	s0 =	sadd.s32 @!p0 $0x100000, s0  }
0x13b: {  	[sflag:s0] =	ssyncadd.tile.s32 @!p0 $0x1;
	_ =	shalt  }
.Lfunc_end2:
_tile_overlayer_lowered:
.L_overlay_start_2:
0x13c: {  	(tag) =	ssettag $0x2  }
0x13d: {  	s0 =	rddreg [dreg:$0x0];
	s2 =	stileid.u32  }
0x13e: {  	s1 =	rddreg [dreg:$0x1];
	p0 =	sne.s32 s2, $0x0  }
0x13f: {  	s3 =	rddreg [dreg:$0x2];
	[bflag:$0x3] =	sbarrier.arrive $0xFFFF;
	s2 =	simm.s32 @!p0 $0x1C01  }
0x140: {  	[timem:s3], [sflag:s2] =	dma.local @!p0 [hbm:s0], s1  }
0x141: {  	s0 =	simm.s32 @!p0 $0x1  }
0x142: {  	_ =	swait.ge @!p0 [sflag:s0], s1  }
0x143: {  	s1 =	ssub.s32 @!p0 $0x0, s1;
	[sflag:s0] =	ssyncset.done @!p0 $0x0  }
0x144: {  	[sflag:s0] =	ssyncadd.s32 @!p0 s1  }
0x145: {  	[bflag:$0x3] =	sbarrier.arrive $0xFFFF  }
0x146: {  	_ =	shalt  }

</sc_bundles>
